<compile_context>
chip_gen: v7x
topology: tpu7x:2x2x1
jax: 0.10.2.dev20260603
libtpu: 0.0.44.dev20260713+nightly
codegen_flags: <defaults>
</compile_context>

<pallas_src>
import numpy as np
import jax
import jax.numpy as jnp
from jax import lax
from jax.experimental import pallas as pl
from jax.experimental.pallas import tpu as pltpu
from jax.experimental.pallas import tpu_sc as plsc
import functools

ROWS = 64
VOCAB = 1_000_000

CHUNK = 2048
SC_BLK = 8192
SC_NBLK = 25
SC_COLS = SC_NBLK * SC_BLK
TAILBLK = VOCAB // CHUNK
TC_COLS = TAILBLK * CHUNK - SC_COLS
NT1 = TC_COLS // CHUNK
NT = NT1 + 1

_ROT_A = (13, 15, 26, 6)
_ROT_B = (17, 29, 16, 24)


def _np_threefry2x32(k0, k1, x0, x1):
    ks = [k0, k1, k0 ^ k1 ^ 0x1BD11BDA]
    x0 = (x0 + ks[0]) & 0xFFFFFFFF
    x1 = (x1 + ks[1]) & 0xFFFFFFFF
    for i, rots in enumerate([_ROT_A, _ROT_B, _ROT_A, _ROT_B, _ROT_A]):
        for r in rots:
            x0 = (x0 + x1) & 0xFFFFFFFF
            x1 = ((x1 << r) | (x1 >> (32 - r))) & 0xFFFFFFFF
            x1 = x0 ^ x1
        j = i + 1
        x0 = (x0 + ks[j % 3]) & 0xFFFFFFFF
        x1 = (x1 + ks[(j + 1) % 3] + j) & 0xFFFFFFFF
    return x0, x1


_K0, _K1 = (np.uint32(v) for v in _np_threefry2x32(0, 0, 0, 1))
_KS = (_K0, _K1, np.uint32(_K0 ^ _K1 ^ np.uint32(0x1BD11BDA)))


def _threefry_bits(flat_u32):
    x0 = jnp.full_like(flat_u32, _K0)
    x1 = flat_u32 + _K1
    for i, rots in enumerate([_ROT_A, _ROT_B, _ROT_A, _ROT_B, _ROT_A]):
        for r in rots:
            x0 = x0 + x1
            x1 = (x1 << np.uint32(r)) | (x1 >> np.uint32(32 - r))
            x1 = x0 ^ x1
        j = i + 1
        x0 = x0 + _KS[j % 3]
        x1 = x1 + _KS[(j + 1) % 3] + np.uint32(j)
    return x0 ^ x1


def _bits_to_u(bits):
    fb = (bits >> np.uint32(9)) | np.uint32(0x3F800000)
    return lax.bitcast_convert_type(fb, jnp.float32) - jnp.float32(1.0)



def _tc_body(x_ref, val_ref, idx_ref):
    step = pl.program_id(0)
    base = jnp.where(step < NT1, step, TAILBLK) * CHUNK
    col = lax.broadcasted_iota(jnp.int32, (ROWS, CHUNK), 1) + base
    row = lax.broadcasted_iota(jnp.int32, (ROWS, CHUNK), 0)
    flat = (row * VOCAB + col).astype(jnp.uint32)

    u = _bits_to_u(_threefry_bits(flat))
    y = x_ref[...] + (-jnp.log(-jnp.log(u)))
    y = jnp.where(col < VOCAB, y, -jnp.inf)

    m = jnp.max(y, axis=1, keepdims=True)
    idx = jnp.min(jnp.where(y == m, col, jnp.int32(2**31 - 1)),
                  axis=1, keepdims=True)

    @pl.when(step == 0)
    def _():
        val_ref[...] = m
        idx_ref[...] = idx

    @pl.when(step > 0)
    def _():
        better = m > val_ref[...]
        val_ref[...] = jnp.where(better, m, val_ref[...])
        idx_ref[...] = jnp.where(better, idx, idx_ref[...])



_LN2 = np.float32(0.6931471805599453)
_SQRT2 = np.float32(1.4142135623730951)
_QC = (np.float32(-0.1043442), np.float32(0.16080349), np.float32(-0.17102107),
       np.float32(0.19918212), np.float32(-0.24983448), np.float32(0.33334355),
       np.float32(-0.50000086))


def _ln16(v):
    bits = lax.bitcast_convert_type(v, jnp.uint32)
    e = (bits >> np.uint32(23)).astype(jnp.int32) - 127
    m = lax.bitcast_convert_type(
        (bits & np.uint32(0x7FFFFF)) | np.uint32(0x3F800000), jnp.float32)
    big = m >= _SQRT2
    e = jnp.where(big, e + 1, e).astype(jnp.float32)
    m = jnp.where(big, m * np.float32(0.5), m)
    t = m - np.float32(1.0)
    q = _QC[0]
    for c in _QC[1:]:
        q = q * t + c
    return e * _LN2 + (t + t * t * q)


@functools.partial(
    pl.kernel,
    mesh=plsc.VectorSubcoreMesh(core_axis_name="c", subcore_axis_name="s"),
    compiler_params=pltpu.CompilerParams(needs_layout_passes=False),
    out_type=[
        jax.ShapeDtypeStruct((ROWS, 16), jnp.float32),
        jax.ShapeDtypeStruct((ROWS, 16), jnp.int32),
    ],
    scratch_types=[
        pltpu.VMEM((SC_BLK,), jnp.float32),
        pltpu.VMEM((16,), jnp.float32),
        pltpu.VMEM((16,), jnp.int32),
    ],
)
def _sc_kernel(x_hbm, vals_hbm, idxs_hbm, xb, resv, resi):
    wid = lax.axis_index("s") * 2 + lax.axis_index("c")
    lanes = lax.iota(jnp.int32, 16)

    def scan_row(row):
        rowbase = row * VOCAB

        def inner(j, carry, col0):
            bestv, besti = carry
            xv = xb[pl.ds(j * 16, 16)]
            col = col0 + j * 16 + lanes
            flat = (rowbase + col).astype(jnp.uint32)
            u = _bits_to_u(_threefry_bits(flat))
            g = -_ln16(-_ln16(u))
            y = xv + g
            pred = y > bestv
            return jnp.where(pred, y, bestv), jnp.where(pred, col, besti)

        def block(b, carry):
            col0 = TC_COLS + b * SC_BLK
            pltpu.sync_copy(x_hbm.at[row, pl.ds(col0, SC_BLK)], xb)
            return lax.fori_loop(0, SC_BLK // 16,
                                 lambda j, c: inner(j, c, col0), carry)

        carry = (jnp.full((16,), -jnp.inf, jnp.float32),
                 jnp.zeros((16,), jnp.int32))
        bestv, besti = lax.fori_loop(0, SC_NBLK, block, carry)
        resv[...] = bestv
        resi[...] = besti
        pltpu.sync_copy(resv, vals_hbm.at[row])
        pltpu.sync_copy(resi, idxs_hbm.at[row])

    scan_row(wid * 2)
    scan_row(wid * 2 + 1)



def _merge_body(tcv_ref, tci_ref, scv_ref, sci_ref, out_ref):
    scv = scv_ref[...]
    m = jnp.max(scv, axis=1, keepdims=True)
    si = jnp.min(jnp.where(scv == m, sci_ref[...], jnp.int32(2**31 - 1)),
                 axis=1, keepdims=True)
    out_ref[...] = jnp.where(m > tcv_ref[...], si, tci_ref[...])


def kernel(x):
    tcv, tci = pl.pallas_call(
        _tc_body,
        grid=(NT,),
        in_specs=[pl.BlockSpec((ROWS, CHUNK),
                               lambda i: (0, jnp.where(i < NT1, i, TAILBLK)))],
        out_specs=[pl.BlockSpec((ROWS, 1), lambda i: (0, 0)),
                   pl.BlockSpec((ROWS, 1), lambda i: (0, 0))],
        out_shape=[jax.ShapeDtypeStruct((ROWS, 1), jnp.float32),
                   jax.ShapeDtypeStruct((ROWS, 1), jnp.int32)],
    )(x)
    scv, sci = _sc_kernel(x)
    out = pl.pallas_call(
        _merge_body,
        out_shape=jax.ShapeDtypeStruct((ROWS, 1), jnp.int32),
    )(tcv, tci, scv, sci)
    return out.reshape(ROWS)

# --- scband reference (transcript-rebuilt; emitter-appended) ---
"""Pipeline reference for scband-sample-layer-12043088298182 (READ-ONLY COPY).

The authoritative reference and input builder live on the scoring server;
editing this copy changes nothing except your own understanding.
"""

import jax, jax.numpy as jnp
import numpy as np


def setup_inputs(seed: int = 0) -> dict:
    key = jax.random.key(seed)
    x = jax.random.normal(key, (64, 1000000), dtype=jnp.float32)
    return {"x": x}


def reference(x):
    # Gumbel-max trick sampling: argmax(x - log(-log(U))), U ~ Uniform(0,1)
    noise_key = jax.random.fold_in(jax.random.key(0), 1)
    noise = jax.random.uniform(noise_key, x.shape, dtype=x.dtype)
    gumbel = -jnp.log(-jnp.log(noise))
    return jnp.argmax(x + gumbel, axis=1)

if __name__ == "__main__":
    import jax
    _d = setup_inputs()
    print(jax.jit(kernel)(*tuple(_d.values())))

</pallas_src>

<mosaic_0001>
#map = affine_map<(d0, d1) -> (0, 0)>
module attributes {stable_mosaic.version = 14 : i64} {
  func.func @_sc_kernel(%arg0: i32, %arg1: i32, %arg2: memref<64x1000000xf32, #tpu.memory_space<hbm>>, %arg3: memref<64x16xf32, #tpu.memory_space<hbm>>, %arg4: memref<64x16xi32, #tpu.memory_space<hbm>>, %arg5: memref<8192xf32, #tpu.memory_space<vmem>>, %arg6: memref<16xf32, #tpu.memory_space<vmem>>, %arg7: memref<16xi32, #tpu.memory_space<vmem>>) attributes {dimension_semantics = [#tpu.dimension_semantics<core_parallel>, #tpu.dimension_semantics<subcore_parallel>], iteration_bounds = array<i64: 2, 16>, scalar_prefetch = 0 : i64, scratch_operands = 3 : i64, tpu.core_type = #tpu.core_type<sc_vector_subcore>, window_params = [{transform_indices = #map}, {transform_indices = #map}, {transform_indices = #map}]} {
    %mul3A = arith.constant 2 : i32
    %mul3A_0 = arith.muli %arg1, %mul3A : i32
    %add3A = arith.addi %mul3A_0, %arg0 : i32
    %iota3A = tpu.iota {dimensions = array<i32: 0>} : vector<16xi32>
    %mul3A_1 = arith.constant 2 : i32
    %mul3A_2 = arith.muli %add3A, %mul3A_1 : i32
    %mul3A_3 = arith.constant 1000000 : i32
    %mul3A_4 = arith.muli %mul3A_2, %mul3A_3 : i32
    %broadcast_in_dim3A = arith.constant 0xFF800000 : f32
    %broadcast_in_dim3A_5 = vector.broadcast %broadcast_in_dim3A : f32 to vector<16xf32>
    %broadcast_in_dim3A_6 = arith.constant 0 : i32
    %broadcast_in_dim3A_7 = vector.broadcast %broadcast_in_dim3A_6 : i32 to vector<16xi32>
    %scan3A = arith.constant 0 : i32
    %scan3A_8 = arith.constant 25 : i32
    %scan3A_9 = arith.addi %scan3A, %scan3A_8 : i32
    %scan3A_10 = arith.constant 1 : i32
    %scan3A_11:2 = scf.for %scan3A_36 = %scan3A to %scan3A_9 step %scan3A_10 iter_args(%scan3A_37 = %broadcast_in_dim3A_5, %scan3A_38 = %broadcast_in_dim3A_7) -> (vector<16xf32>, vector<16xi32>)  : i32 {
      %mul3A_39 = arith.constant 8192 : i32
      %mul3A_40 = arith.muli %scan3A_36, %mul3A_39 : i32
      %add3A_41 = arith.constant 794624 : i32
      %add3A_42 = arith.addi %add3A_41, %mul3A_40 : i32
      "tpu.region"() ({
        %run_scoped3A = tpu.sem_alloc : memref<!tpu.dma_semaphore, #tpu.memory_space<semaphore_mem>>
        %dma_start3A = tpu.memref_slice %arg2[%mul3A_2, %add3A_42] : memref<64x1000000xf32, #tpu.memory_space<hbm>> -> memref<1x8192xf32, #tpu.memory_space<hbm>>
        %dma_start3A_49 = tpu.memref_squeeze %dma_start3A : memref<1x8192xf32, #tpu.memory_space<hbm>> -> memref<8192xf32, #tpu.memory_space<hbm>>
        %dma_start3A_50 = tpu.memref_slice %arg2[%mul3A_2, %add3A_42] : memref<64x1000000xf32, #tpu.memory_space<hbm>> -> memref<1x8192xf32, #tpu.memory_space<hbm>>
        %dma_start3A_51 = tpu.memref_squeeze %dma_start3A_50 : memref<1x8192xf32, #tpu.memory_space<hbm>> -> memref<8192xf32, #tpu.memory_space<hbm>>
        tpu.enqueue_dma source(%dma_start3A_51 : memref<8192xf32, #tpu.memory_space<hbm>>) target(%arg5 : memref<8192xf32, #tpu.memory_space<vmem>>) target_semaphore(%run_scoped3A : memref<!tpu.dma_semaphore, #tpu.memory_space<semaphore_mem>>)
        %dma_wait3A = tpu.memref_slice %arg2[%mul3A_2, %add3A_42] : memref<64x1000000xf32, #tpu.memory_space<hbm>> -> memref<1x8192xf32, #tpu.memory_space<hbm>>
        %dma_wait3A_52 = tpu.memref_squeeze %dma_wait3A : memref<1x8192xf32, #tpu.memory_space<hbm>> -> memref<8192xf32, #tpu.memory_space<hbm>>
        %dma_wait3A_53 = tpu.memref_slice %arg2[%mul3A_2, %add3A_42] : memref<64x1000000xf32, #tpu.memory_space<hbm>> -> memref<1x8192xf32, #tpu.memory_space<hbm>>
        %dma_wait3A_54 = tpu.memref_squeeze %dma_wait3A_53 : memref<1x8192xf32, #tpu.memory_space<hbm>> -> memref<8192xf32, #tpu.memory_space<hbm>>
        tpu.wait_dma2 semaphore(%run_scoped3A : memref<!tpu.dma_semaphore, #tpu.memory_space<semaphore_mem>>) src(%dma_wait3A_54 : memref<8192xf32, #tpu.memory_space<hbm>>) dst(%arg5 : memref<8192xf32, #tpu.memory_space<vmem>>)
        tpu.yield
      }) : () -> ()
      %scan3A_43 = arith.constant 0 : i32
      %scan3A_44 = arith.constant 512 : i32
      %scan3A_45 = arith.addi %scan3A_43, %scan3A_44 : i32
      %scan3A_46 = arith.constant 1 : i32
      %scan3A_47:2 = scf.for %scan3A_49 = %scan3A_43 to %scan3A_45 step %scan3A_46 iter_args(%scan3A_50 = %scan3A_37, %scan3A_51 = %scan3A_38) -> (vector<16xf32>, vector<16xi32>)  : i32 {
        %mul3A_52 = arith.constant 16 : i32
        %mul3A_53 = arith.muli %scan3A_49, %mul3A_52 : i32
        %get3A = arith.index_cast %mul3A_53 : i32 to index
        %get3A_54 = tpu.vector_load %arg5[%get3A] {strides = array<i32>} : memref<8192xf32, #tpu.memory_space<vmem>>, vector<16xf32>,
        %mul3A_55 = arith.constant 16 : i32
        %mul3A_56 = arith.muli %scan3A_49, %mul3A_55 : i32
        %add3A_57 = arith.addi %add3A_42, %mul3A_56 : i32
        %add3A_58 = vector.broadcast %add3A_57 : i32 to vector<16xi32>
        %add3A_59 = arith.addi %add3A_58, %iota3A : vector<16xi32>
        %add3A_60 = vector.broadcast %mul3A_4 : i32 to vector<16xi32>
        %add3A_61 = arith.addi %add3A_60, %add3A_59 : vector<16xi32>
        %broadcast_in_dim3A_62 = arith.constant 928981903 : i32
        %broadcast_in_dim3A_63 = vector.broadcast %broadcast_in_dim3A_62 : i32 to vector<16xi32>
        %add3A_64 = arith.constant -841280227 : i32
        %add3A_65 = vector.broadcast %add3A_64 : i32 to vector<16xi32>
        %add3A_66 = arith.addi %add3A_61, %add3A_65 : vector<16xi32>
        %add3A_67 = arith.addi %broadcast_in_dim3A_63, %add3A_66 : vector<16xi32>
        %shift_left3A = arith.constant 13 : i32
        %shift_left3A_68 = vector.broadcast %shift_left3A : i32 to vector<16xi32>
        %shift_left3A_69 = arith.shli %add3A_66, %shift_left3A_68 : vector<16xi32>
        %shift_right_logical3A = arith.constant 19 : i32
        %shift_right_logical3A_70 = vector.broadcast %shift_right_logical3A : i32 to vector<16xi32>
        %shift_right_logical3A_71 = arith.shrui %add3A_66, %shift_right_logical3A_70 : vector<16xi32>
        %or3A = arith.ori %shift_left3A_69, %shift_right_logical3A_71 : vector<16xi32>
        %xor3A = arith.xori %add3A_67, %or3A : vector<16xi32>
        %add3A_72 = arith.addi %add3A_67, %xor3A : vector<16xi32>
        %shift_left3A_73 = arith.constant 15 : i32
        %shift_left3A_74 = vector.broadcast %shift_left3A_73 : i32 to vector<16xi32>
        %shift_left3A_75 = arith.shli %xor3A, %shift_left3A_74 : vector<16xi32>
        %shift_right_logical3A_76 = arith.constant 17 : i32
        %shift_right_logical3A_77 = vector.broadcast %shift_right_logical3A_76 : i32 to vector<16xi32>
        %shift_right_logical3A_78 = arith.shrui %xor3A, %shift_right_logical3A_77 : vector<16xi32>
        %or3A_79 = arith.ori %shift_left3A_75, %shift_right_logical3A_78 : vector<16xi32>
        %xor3A_80 = arith.xori %add3A_72, %or3A_79 : vector<16xi32>
        %add3A_81 = arith.addi %add3A_72, %xor3A_80 : vector<16xi32>
        %shift_left3A_82 = arith.constant 26 : i32
        %shift_left3A_83 = vector.broadcast %shift_left3A_82 : i32 to vector<16xi32>
        %shift_left3A_84 = arith.shli %xor3A_80, %shift_left3A_83 : vector<16xi32>
        %shift_right_logical3A_85 = arith.constant 6 : i32
        %shift_right_logical3A_86 = vector.broadcast %shift_right_logical3A_85 : i32 to vector<16xi32>
        %shift_right_logical3A_87 = arith.shrui %xor3A_80, %shift_right_logical3A_86 : vector<16xi32>
        %or3A_88 = arith.ori %shift_left3A_84, %shift_right_logical3A_87 : vector<16xi32>
        %xor3A_89 = arith.xori %add3A_81, %or3A_88 : vector<16xi32>
        %add3A_90 = arith.addi %add3A_81, %xor3A_89 : vector<16xi32>
        %shift_left3A_91 = arith.constant 6 : i32
        %shift_left3A_92 = vector.broadcast %shift_left3A_91 : i32 to vector<16xi32>
        %shift_left3A_93 = arith.shli %xor3A_89, %shift_left3A_92 : vector<16xi32>
        %shift_right_logical3A_94 = arith.constant 26 : i32
        %shift_right_logical3A_95 = vector.broadcast %shift_right_logical3A_94 : i32 to vector<16xi32>
        %shift_right_logical3A_96 = arith.shrui %xor3A_89, %shift_right_logical3A_95 : vector<16xi32>
        %or3A_97 = arith.ori %shift_left3A_93, %shift_right_logical3A_96 : vector<16xi32>
        %xor3A_98 = arith.xori %add3A_90, %or3A_97 : vector<16xi32>
        %add3A_99 = arith.constant -841280227 : i32
        %add3A_100 = vector.broadcast %add3A_99 : i32 to vector<16xi32>
        %add3A_101 = arith.addi %add3A_90, %add3A_100 : vector<16xi32>
        %add3A_102 = arith.constant -514511544 : i32
        %add3A_103 = vector.broadcast %add3A_102 : i32 to vector<16xi32>
        %add3A_104 = arith.addi %xor3A_98, %add3A_103 : vector<16xi32>
        %add3A_105 = arith.constant 1 : i32
        %add3A_106 = vector.broadcast %add3A_105 : i32 to vector<16xi32>
        %add3A_107 = arith.addi %add3A_104, %add3A_106 : vector<16xi32>
        %add3A_108 = arith.addi %add3A_101, %add3A_107 : vector<16xi32>
        %shift_left3A_109 = arith.constant 17 : i32
        %shift_left3A_110 = vector.broadcast %shift_left3A_109 : i32 to vector<16xi32>
        %shift_left3A_111 = arith.shli %add3A_107, %shift_left3A_110 : vector<16xi32>
        %shift_right_logical3A_112 = arith.constant 15 : i32
        %shift_right_logical3A_113 = vector.broadcast %shift_right_logical3A_112 : i32 to vector<16xi32>
        %shift_right_logical3A_114 = arith.shrui %add3A_107, %shift_right_logical3A_113 : vector<16xi32>
        %or3A_115 = arith.ori %shift_left3A_111, %shift_right_logical3A_114 : vector<16xi32>
        %xor3A_116 = arith.xori %add3A_108, %or3A_115 : vector<16xi32>
        %add3A_117 = arith.addi %add3A_108, %xor3A_116 : vector<16xi32>
        %shift_left3A_118 = arith.constant 29 : i32
        %shift_left3A_119 = vector.broadcast %shift_left3A_118 : i32 to vector<16xi32>
        %shift_left3A_120 = arith.shli %xor3A_116, %shift_left3A_119 : vector<16xi32>
        %shift_right_logical3A_121 = arith.constant 3 : i32
        %shift_right_logical3A_122 = vector.broadcast %shift_right_logical3A_121 : i32 to vector<16xi32>
        %shift_right_logical3A_123 = arith.shrui %xor3A_116, %shift_right_logical3A_122 : vector<16xi32>
        %or3A_124 = arith.ori %shift_left3A_120, %shift_right_logical3A_123 : vector<16xi32>
        %xor3A_125 = arith.xori %add3A_117, %or3A_124 : vector<16xi32>
        %add3A_126 = arith.addi %add3A_117, %xor3A_125 : vector<16xi32>
        %shift_left3A_127 = arith.constant 16 : i32
        %shift_left3A_128 = vector.broadcast %shift_left3A_127 : i32 to vector<16xi32>
        %shift_left3A_129 = arith.shli %xor3A_125, %shift_left3A_128 : vector<16xi32>
        %shift_right_logical3A_130 = arith.constant 16 : i32
        %shift_right_logical3A_131 = vector.broadcast %shift_right_logical3A_130 : i32 to vector<16xi32>
        %shift_right_logical3A_132 = arith.shrui %xor3A_125, %shift_right_logical3A_131 : vector<16xi32>
        %or3A_133 = arith.ori %shift_left3A_129, %shift_right_logical3A_132 : vector<16xi32>
        %xor3A_134 = arith.xori %add3A_126, %or3A_133 : vector<16xi32>
        %add3A_135 = arith.addi %add3A_126, %xor3A_134 : vector<16xi32>
        %shift_left3A_136 = arith.constant 24 : i32
        %shift_left3A_137 = vector.broadcast %shift_left3A_136 : i32 to vector<16xi32>
        %shift_left3A_138 = arith.shli %xor3A_134, %shift_left3A_137 : vector<16xi32>
        %shift_right_logical3A_139 = arith.constant 8 : i32
        %shift_right_logical3A_140 = vector.broadcast %shift_right_logical3A_139 : i32 to vector<16xi32>
        %shift_right_logical3A_141 = arith.shrui %xor3A_134, %shift_right_logical3A_140 : vector<16xi32>
        %or3A_142 = arith.ori %shift_left3A_138, %shift_right_logical3A_141 : vector<16xi32>
        %xor3A_143 = arith.xori %add3A_135, %or3A_142 : vector<16xi32>
        %add3A_144 = arith.constant -514511544 : i32
        %add3A_145 = vector.broadcast %add3A_144 : i32 to vector<16xi32>
        %add3A_146 = arith.addi %add3A_135, %add3A_145 : vector<16xi32>
        %add3A_147 = arith.constant 928981903 : i32
        %add3A_148 = vector.broadcast %add3A_147 : i32 to vector<16xi32>
        %add3A_149 = arith.addi %xor3A_143, %add3A_148 : vector<16xi32>
        %add3A_150 = arith.constant 2 : i32
        %add3A_151 = vector.broadcast %add3A_150 : i32 to vector<16xi32>
        %add3A_152 = arith.addi %add3A_149, %add3A_151 : vector<16xi32>
        %add3A_153 = arith.addi %add3A_146, %add3A_152 : vector<16xi32>
        %shift_left3A_154 = arith.constant 13 : i32
        %shift_left3A_155 = vector.broadcast %shift_left3A_154 : i32 to vector<16xi32>
        %shift_left3A_156 = arith.shli %add3A_152, %shift_left3A_155 : vector<16xi32>
        %shift_right_logical3A_157 = arith.constant 19 : i32
        %shift_right_logical3A_158 = vector.broadcast %shift_right_logical3A_157 : i32 to vector<16xi32>
        %shift_right_logical3A_159 = arith.shrui %add3A_152, %shift_right_logical3A_158 : vector<16xi32>
        %or3A_160 = arith.ori %shift_left3A_156, %shift_right_logical3A_159 : vector<16xi32>
        %xor3A_161 = arith.xori %add3A_153, %or3A_160 : vector<16xi32>
        %add3A_162 = arith.addi %add3A_153, %xor3A_161 : vector<16xi32>
        %shift_left3A_163 = arith.constant 15 : i32
        %shift_left3A_164 = vector.broadcast %shift_left3A_163 : i32 to vector<16xi32>
        %shift_left3A_165 = arith.shli %xor3A_161, %shift_left3A_164 : vector<16xi32>
        %shift_right_logical3A_166 = arith.constant 17 : i32
        %shift_right_logical3A_167 = vector.broadcast %shift_right_logical3A_166 : i32 to vector<16xi32>
        %shift_right_logical3A_168 = arith.shrui %xor3A_161, %shift_right_logical3A_167 : vector<16xi32>
        %or3A_169 = arith.ori %shift_left3A_165, %shift_right_logical3A_168 : vector<16xi32>
        %xor3A_170 = arith.xori %add3A_162, %or3A_169 : vector<16xi32>
        %add3A_171 = arith.addi %add3A_162, %xor3A_170 : vector<16xi32>
        %shift_left3A_172 = arith.constant 26 : i32
        %shift_left3A_173 = vector.broadcast %shift_left3A_172 : i32 to vector<16xi32>
        %shift_left3A_174 = arith.shli %xor3A_170, %shift_left3A_173 : vector<16xi32>
        %shift_right_logical3A_175 = arith.constant 6 : i32
        %shift_right_logical3A_176 = vector.broadcast %shift_right_logical3A_175 : i32 to vector<16xi32>
        %shift_right_logical3A_177 = arith.shrui %xor3A_170, %shift_right_logical3A_176 : vector<16xi32>
        %or3A_178 = arith.ori %shift_left3A_174, %shift_right_logical3A_177 : vector<16xi32>
        %xor3A_179 = arith.xori %add3A_171, %or3A_178 : vector<16xi32>
        %add3A_180 = arith.addi %add3A_171, %xor3A_179 : vector<16xi32>
        %shift_left3A_181 = arith.constant 6 : i32
        %shift_left3A_182 = vector.broadcast %shift_left3A_181 : i32 to vector<16xi32>
        %shift_left3A_183 = arith.shli %xor3A_179, %shift_left3A_182 : vector<16xi32>
        %shift_right_logical3A_184 = arith.constant 26 : i32
        %shift_right_logical3A_185 = vector.broadcast %shift_right_logical3A_184 : i32 to vector<16xi32>
        %shift_right_logical3A_186 = arith.shrui %xor3A_179, %shift_right_logical3A_185 : vector<16xi32>
        %or3A_187 = arith.ori %shift_left3A_183, %shift_right_logical3A_186 : vector<16xi32>
        %xor3A_188 = arith.xori %add3A_180, %or3A_187 : vector<16xi32>
        %add3A_189 = arith.constant 928981903 : i32
        %add3A_190 = vector.broadcast %add3A_189 : i32 to vector<16xi32>
        %add3A_191 = arith.addi %add3A_180, %add3A_190 : vector<16xi32>
        %add3A_192 = arith.constant -841280227 : i32
        %add3A_193 = vector.broadcast %add3A_192 : i32 to vector<16xi32>
        %add3A_194 = arith.addi %xor3A_188, %add3A_193 : vector<16xi32>
        %add3A_195 = arith.constant 3 : i32
        %add3A_196 = vector.broadcast %add3A_195 : i32 to vector<16xi32>
        %add3A_197 = arith.addi %add3A_194, %add3A_196 : vector<16xi32>
        %add3A_198 = arith.addi %add3A_191, %add3A_197 : vector<16xi32>
        %shift_left3A_199 = arith.constant 17 : i32
        %shift_left3A_200 = vector.broadcast %shift_left3A_199 : i32 to vector<16xi32>
        %shift_left3A_201 = arith.shli %add3A_197, %shift_left3A_200 : vector<16xi32>
        %shift_right_logical3A_202 = arith.constant 15 : i32
        %shift_right_logical3A_203 = vector.broadcast %shift_right_logical3A_202 : i32 to vector<16xi32>
        %shift_right_logical3A_204 = arith.shrui %add3A_197, %shift_right_logical3A_203 : vector<16xi32>
        %or3A_205 = arith.ori %shift_left3A_201, %shift_right_logical3A_204 : vector<16xi32>
        %xor3A_206 = arith.xori %add3A_198, %or3A_205 : vector<16xi32>
        %add3A_207 = arith.addi %add3A_198, %xor3A_206 : vector<16xi32>
        %shift_left3A_208 = arith.constant 29 : i32
        %shift_left3A_209 = vector.broadcast %shift_left3A_208 : i32 to vector<16xi32>
        %shift_left3A_210 = arith.shli %xor3A_206, %shift_left3A_209 : vector<16xi32>
        %shift_right_logical3A_211 = arith.constant 3 : i32
        %shift_right_logical3A_212 = vector.broadcast %shift_right_logical3A_211 : i32 to vector<16xi32>
        %shift_right_logical3A_213 = arith.shrui %xor3A_206, %shift_right_logical3A_212 : vector<16xi32>
        %or3A_214 = arith.ori %shift_left3A_210, %shift_right_logical3A_213 : vector<16xi32>
        %xor3A_215 = arith.xori %add3A_207, %or3A_214 : vector<16xi32>
        %add3A_216 = arith.addi %add3A_207, %xor3A_215 : vector<16xi32>
        %shift_left3A_217 = arith.constant 16 : i32
        %shift_left3A_218 = vector.broadcast %shift_left3A_217 : i32 to vector<16xi32>
        %shift_left3A_219 = arith.shli %xor3A_215, %shift_left3A_218 : vector<16xi32>
        %shift_right_logical3A_220 = arith.constant 16 : i32
        %shift_right_logical3A_221 = vector.broadcast %shift_right_logical3A_220 : i32 to vector<16xi32>
        %shift_right_logical3A_222 = arith.shrui %xor3A_215, %shift_right_logical3A_221 : vector<16xi32>
        %or3A_223 = arith.ori %shift_left3A_219, %shift_right_logical3A_222 : vector<16xi32>
        %xor3A_224 = arith.xori %add3A_216, %or3A_223 : vector<16xi32>
        %add3A_225 = arith.addi %add3A_216, %xor3A_224 : vector<16xi32>
        %shift_left3A_226 = arith.constant 24 : i32
        %shift_left3A_227 = vector.broadcast %shift_left3A_226 : i32 to vector<16xi32>
        %shift_left3A_228 = arith.shli %xor3A_224, %shift_left3A_227 : vector<16xi32>
        %shift_right_logical3A_229 = arith.constant 8 : i32
        %shift_right_logical3A_230 = vector.broadcast %shift_right_logical3A_229 : i32 to vector<16xi32>
        %shift_right_logical3A_231 = arith.shrui %xor3A_224, %shift_right_logical3A_230 : vector<16xi32>
        %or3A_232 = arith.ori %shift_left3A_228, %shift_right_logical3A_231 : vector<16xi32>
        %xor3A_233 = arith.xori %add3A_225, %or3A_232 : vector<16xi32>
        %add3A_234 = arith.constant -841280227 : i32
        %add3A_235 = vector.broadcast %add3A_234 : i32 to vector<16xi32>
        %add3A_236 = arith.addi %add3A_225, %add3A_235 : vector<16xi32>
        %add3A_237 = arith.constant -514511544 : i32
        %add3A_238 = vector.broadcast %add3A_237 : i32 to vector<16xi32>
        %add3A_239 = arith.addi %xor3A_233, %add3A_238 : vector<16xi32>
        %add3A_240 = arith.constant 4 : i32
        %add3A_241 = vector.broadcast %add3A_240 : i32 to vector<16xi32>
        %add3A_242 = arith.addi %add3A_239, %add3A_241 : vector<16xi32>
        %add3A_243 = arith.addi %add3A_236, %add3A_242 : vector<16xi32>
        %shift_left3A_244 = arith.constant 13 : i32
        %shift_left3A_245 = vector.broadcast %shift_left3A_244 : i32 to vector<16xi32>
        %shift_left3A_246 = arith.shli %add3A_242, %shift_left3A_245 : vector<16xi32>
        %shift_right_logical3A_247 = arith.constant 19 : i32
        %shift_right_logical3A_248 = vector.broadcast %shift_right_logical3A_247 : i32 to vector<16xi32>
        %shift_right_logical3A_249 = arith.shrui %add3A_242, %shift_right_logical3A_248 : vector<16xi32>
        %or3A_250 = arith.ori %shift_left3A_246, %shift_right_logical3A_249 : vector<16xi32>
        %xor3A_251 = arith.xori %add3A_243, %or3A_250 : vector<16xi32>
        %add3A_252 = arith.addi %add3A_243, %xor3A_251 : vector<16xi32>
        %shift_left3A_253 = arith.constant 15 : i32
        %shift_left3A_254 = vector.broadcast %shift_left3A_253 : i32 to vector<16xi32>
        %shift_left3A_255 = arith.shli %xor3A_251, %shift_left3A_254 : vector<16xi32>
        %shift_right_logical3A_256 = arith.constant 17 : i32
        %shift_right_logical3A_257 = vector.broadcast %shift_right_logical3A_256 : i32 to vector<16xi32>
        %shift_right_logical3A_258 = arith.shrui %xor3A_251, %shift_right_logical3A_257 : vector<16xi32>
        %or3A_259 = arith.ori %shift_left3A_255, %shift_right_logical3A_258 : vector<16xi32>
        %xor3A_260 = arith.xori %add3A_252, %or3A_259 : vector<16xi32>
        %add3A_261 = arith.addi %add3A_252, %xor3A_260 : vector<16xi32>
        %shift_left3A_262 = arith.constant 26 : i32
        %shift_left3A_263 = vector.broadcast %shift_left3A_262 : i32 to vector<16xi32>
        %shift_left3A_264 = arith.shli %xor3A_260, %shift_left3A_263 : vector<16xi32>
        %shift_right_logical3A_265 = arith.constant 6 : i32
        %shift_right_logical3A_266 = vector.broadcast %shift_right_logical3A_265 : i32 to vector<16xi32>
        %shift_right_logical3A_267 = arith.shrui %xor3A_260, %shift_right_logical3A_266 : vector<16xi32>
        %or3A_268 = arith.ori %shift_left3A_264, %shift_right_logical3A_267 : vector<16xi32>
        %xor3A_269 = arith.xori %add3A_261, %or3A_268 : vector<16xi32>
        %add3A_270 = arith.addi %add3A_261, %xor3A_269 : vector<16xi32>
        %shift_left3A_271 = arith.constant 6 : i32
        %shift_left3A_272 = vector.broadcast %shift_left3A_271 : i32 to vector<16xi32>
        %shift_left3A_273 = arith.shli %xor3A_269, %shift_left3A_272 : vector<16xi32>
        %shift_right_logical3A_274 = arith.constant 26 : i32
        %shift_right_logical3A_275 = vector.broadcast %shift_right_logical3A_274 : i32 to vector<16xi32>
        %shift_right_logical3A_276 = arith.shrui %xor3A_269, %shift_right_logical3A_275 : vector<16xi32>
        %or3A_277 = arith.ori %shift_left3A_273, %shift_right_logical3A_276 : vector<16xi32>
        %xor3A_278 = arith.xori %add3A_270, %or3A_277 : vector<16xi32>
        %add3A_279 = arith.constant -514511544 : i32
        %add3A_280 = vector.broadcast %add3A_279 : i32 to vector<16xi32>
        %add3A_281 = arith.addi %add3A_270, %add3A_280 : vector<16xi32>
        %add3A_282 = arith.constant 928981903 : i32
        %add3A_283 = vector.broadcast %add3A_282 : i32 to vector<16xi32>
        %add3A_284 = arith.addi %xor3A_278, %add3A_283 : vector<16xi32>
        %add3A_285 = arith.constant 5 : i32
        %add3A_286 = vector.broadcast %add3A_285 : i32 to vector<16xi32>
        %add3A_287 = arith.addi %add3A_284, %add3A_286 : vector<16xi32>
        %xor3A_288 = arith.xori %add3A_281, %add3A_287 : vector<16xi32>
        %shift_right_logical3A_289 = arith.constant 9 : i32
        %shift_right_logical3A_290 = vector.broadcast %shift_right_logical3A_289 : i32 to vector<16xi32>
        %shift_right_logical3A_291 = arith.shrui %xor3A_288, %shift_right_logical3A_290 : vector<16xi32>
        %or3A_292 = arith.constant 1065353216 : i32
        %or3A_293 = vector.broadcast %or3A_292 : i32 to vector<16xi32>
        %or3A_294 = arith.ori %shift_right_logical3A_291, %or3A_293 : vector<16xi32>
        %bitcast_convert_type3A = tpu.bitcast %or3A_294 : vector<16xi32> -> vector<16xf32>
        %sub3A = arith.constant 1.000000e+00 : f32
        %sub3A_295 = vector.broadcast %sub3A : f32 to vector<16xf32>
        %sub3A_296 = arith.subf %bitcast_convert_type3A, %sub3A_295 : vector<16xf32>
        %bitcast_convert_type3A_297 = tpu.bitcast %sub3A_296 : vector<16xf32> -> vector<16xi32>
        %shift_right_logical3A_298 = arith.constant 23 : i32
        %shift_right_logical3A_299 = vector.broadcast %shift_right_logical3A_298 : i32 to vector<16xi32>
        %shift_right_logical3A_300 = arith.shrui %bitcast_convert_type3A_297, %shift_right_logical3A_299 : vector<16xi32>
        %sub3A_301 = arith.constant 127 : i32
        %sub3A_302 = vector.broadcast %sub3A_301 : i32 to vector<16xi32>
        %sub3A_303 = arith.subi %shift_right_logical3A_300, %sub3A_302 : vector<16xi32>
        %and3A = arith.constant 8388607 : i32
        %and3A_304 = vector.broadcast %and3A : i32 to vector<16xi32>
        %and3A_305 = arith.andi %bitcast_convert_type3A_297, %and3A_304 : vector<16xi32>
        %or3A_306 = arith.constant 1065353216 : i32
        %or3A_307 = vector.broadcast %or3A_306 : i32 to vector<16xi32>
        %or3A_308 = arith.ori %and3A_305, %or3A_307 : vector<16xi32>
        %bitcast_convert_type3A_309 = tpu.bitcast %or3A_308 : vector<16xi32> -> vector<16xf32>
        %ge3A = arith.constant 1.41421354 : f32
        %ge3A_310 = vector.broadcast %ge3A : f32 to vector<16xf32>
        %ge3A_311 = arith.cmpf oge, %bitcast_convert_type3A_309, %ge3A_310 : vector<16xf32>
        %add3A_312 = arith.constant 1 : i32
        %add3A_313 = vector.broadcast %add3A_312 : i32 to vector<16xi32>
        %add3A_314 = arith.addi %sub3A_303, %add3A_313 : vector<16xi32>
        %select_n3A = arith.select %ge3A_311, %add3A_314, %sub3A_303 : vector<16xi1>, vector<16xi32>
        %convert_element_type3A = arith.sitofp %select_n3A : vector<16xi32> to vector<16xf32>
        %mul3A_315 = arith.constant 5.000000e-01 : f32
        %mul3A_316 = vector.broadcast %mul3A_315 : f32 to vector<16xf32>
        %mul3A_317 = arith.mulf %bitcast_convert_type3A_309, %mul3A_316 : vector<16xf32>
        %select_n3A_318 = arith.select %ge3A_311, %mul3A_317, %bitcast_convert_type3A_309 : vector<16xi1>, vector<16xf32>
        %sub3A_319 = arith.constant 1.000000e+00 : f32
        %sub3A_320 = vector.broadcast %sub3A_319 : f32 to vector<16xf32>
        %sub3A_321 = arith.subf %select_n3A_318, %sub3A_320 : vector<16xf32>
        %mul3A_322 = arith.constant -0.104344197 : f32
        %mul3A_323 = vector.broadcast %mul3A_322 : f32 to vector<16xf32>
        %mul3A_324 = arith.mulf %mul3A_323, %sub3A_321 : vector<16xf32>
        %add3A_325 = arith.constant 0.160803497 : f32
        %add3A_326 = vector.broadcast %add3A_325 : f32 to vector<16xf32>
        %add3A_327 = arith.addf %mul3A_324, %add3A_326 : vector<16xf32>
        %mul3A_328 = arith.mulf %add3A_327, %sub3A_321 : vector<16xf32>
        %add3A_329 = arith.constant -0.171021074 : f32
        %add3A_330 = vector.broadcast %add3A_329 : f32 to vector<16xf32>
        %add3A_331 = arith.addf %mul3A_328, %add3A_330 : vector<16xf32>
        %mul3A_332 = arith.mulf %add3A_331, %sub3A_321 : vector<16xf32>
        %add3A_333 = arith.constant 0.199182123 : f32
        %add3A_334 = vector.broadcast %add3A_333 : f32 to vector<16xf32>
        %add3A_335 = arith.addf %mul3A_332, %add3A_334 : vector<16xf32>
        %mul3A_336 = arith.mulf %add3A_335, %sub3A_321 : vector<16xf32>
        %add3A_337 = arith.constant -0.249834478 : f32
        %add3A_338 = vector.broadcast %add3A_337 : f32 to vector<16xf32>
        %add3A_339 = arith.addf %mul3A_336, %add3A_338 : vector<16xf32>
        %mul3A_340 = arith.mulf %add3A_339, %sub3A_321 : vector<16xf32>
        %add3A_341 = arith.constant 0.333343536 : f32
        %add3A_342 = vector.broadcast %add3A_341 : f32 to vector<16xf32>
        %add3A_343 = arith.addf %mul3A_340, %add3A_342 : vector<16xf32>
        %mul3A_344 = arith.mulf %add3A_343, %sub3A_321 : vector<16xf32>
        %add3A_345 = arith.constant -0.500000834 : f32
        %add3A_346 = vector.broadcast %add3A_345 : f32 to vector<16xf32>
        %add3A_347 = arith.addf %mul3A_344, %add3A_346 : vector<16xf32>
        %mul3A_348 = arith.constant 0.693147182 : f32
        %mul3A_349 = vector.broadcast %mul3A_348 : f32 to vector<16xf32>
        %mul3A_350 = arith.mulf %convert_element_type3A, %mul3A_349 : vector<16xf32>
        %mul3A_351 = arith.mulf %sub3A_321, %sub3A_321 : vector<16xf32>
        %mul3A_352 = arith.mulf %mul3A_351, %add3A_347 : vector<16xf32>
        %add3A_353 = arith.addf %sub3A_321, %mul3A_352 : vector<16xf32>
        %add3A_354 = arith.addf %mul3A_350, %add3A_353 : vector<16xf32>
        %neg3A = arith.constant 0.000000e+00 : f32
        %neg3A_355 = vector.broadcast %neg3A : f32 to vector<16xf32>
        %neg3A_356 = arith.subf %neg3A_355, %add3A_354 : vector<16xf32>
        %bitcast_convert_type3A_357 = tpu.bitcast %neg3A_356 : vector<16xf32> -> vector<16xi32>
        %shift_right_logical3A_358 = arith.constant 23 : i32
        %shift_right_logical3A_359 = vector.broadcast %shift_right_logical3A_358 : i32 to vector<16xi32>
        %shift_right_logical3A_360 = arith.shrui %bitcast_convert_type3A_357, %shift_right_logical3A_359 : vector<16xi32>
        %sub3A_361 = arith.constant 127 : i32
        %sub3A_362 = vector.broadcast %sub3A_361 : i32 to vector<16xi32>
        %sub3A_363 = arith.subi %shift_right_logical3A_360, %sub3A_362 : vector<16xi32>
        %and3A_364 = arith.constant 8388607 : i32
        %and3A_365 = vector.broadcast %and3A_364 : i32 to vector<16xi32>
        %and3A_366 = arith.andi %bitcast_convert_type3A_357, %and3A_365 : vector<16xi32>
        %or3A_367 = arith.constant 1065353216 : i32
        %or3A_368 = vector.broadcast %or3A_367 : i32 to vector<16xi32>
        %or3A_369 = arith.ori %and3A_366, %or3A_368 : vector<16xi32>
        %bitcast_convert_type3A_370 = tpu.bitcast %or3A_369 : vector<16xi32> -> vector<16xf32>
        %ge3A_371 = arith.constant 1.41421354 : f32
        %ge3A_372 = vector.broadcast %ge3A_371 : f32 to vector<16xf32>
        %ge3A_373 = arith.cmpf oge, %bitcast_convert_type3A_370, %ge3A_372 : vector<16xf32>
        %add3A_374 = arith.constant 1 : i32
        %add3A_375 = vector.broadcast %add3A_374 : i32 to vector<16xi32>
        %add3A_376 = arith.addi %sub3A_363, %add3A_375 : vector<16xi32>
        %select_n3A_377 = arith.select %ge3A_373, %add3A_376, %sub3A_363 : vector<16xi1>, vector<16xi32>
        %convert_element_type3A_378 = arith.sitofp %select_n3A_377 : vector<16xi32> to vector<16xf32>
        %mul3A_379 = arith.constant 5.000000e-01 : f32
        %mul3A_380 = vector.broadcast %mul3A_379 : f32 to vector<16xf32>
        %mul3A_381 = arith.mulf %bitcast_convert_type3A_370, %mul3A_380 : vector<16xf32>
        %select_n3A_382 = arith.select %ge3A_373, %mul3A_381, %bitcast_convert_type3A_370 : vector<16xi1>, vector<16xf32>
        %sub3A_383 = arith.constant 1.000000e+00 : f32
        %sub3A_384 = vector.broadcast %sub3A_383 : f32 to vector<16xf32>
        %sub3A_385 = arith.subf %select_n3A_382, %sub3A_384 : vector<16xf32>
        %mul3A_386 = arith.constant -0.104344197 : f32
        %mul3A_387 = vector.broadcast %mul3A_386 : f32 to vector<16xf32>
        %mul3A_388 = arith.mulf %mul3A_387, %sub3A_385 : vector<16xf32>
        %add3A_389 = arith.constant 0.160803497 : f32
        %add3A_390 = vector.broadcast %add3A_389 : f32 to vector<16xf32>
        %add3A_391 = arith.addf %mul3A_388, %add3A_390 : vector<16xf32>
        %mul3A_392 = arith.mulf %add3A_391, %sub3A_385 : vector<16xf32>
        %add3A_393 = arith.constant -0.171021074 : f32
        %add3A_394 = vector.broadcast %add3A_393 : f32 to vector<16xf32>
        %add3A_395 = arith.addf %mul3A_392, %add3A_394 : vector<16xf32>
        %mul3A_396 = arith.mulf %add3A_395, %sub3A_385 : vector<16xf32>
        %add3A_397 = arith.constant 0.199182123 : f32
        %add3A_398 = vector.broadcast %add3A_397 : f32 to vector<16xf32>
        %add3A_399 = arith.addf %mul3A_396, %add3A_398 : vector<16xf32>
        %mul3A_400 = arith.mulf %add3A_399, %sub3A_385 : vector<16xf32>
        %add3A_401 = arith.constant -0.249834478 : f32
        %add3A_402 = vector.broadcast %add3A_401 : f32 to vector<16xf32>
        %add3A_403 = arith.addf %mul3A_400, %add3A_402 : vector<16xf32>
        %mul3A_404 = arith.mulf %add3A_403, %sub3A_385 : vector<16xf32>
        %add3A_405 = arith.constant 0.333343536 : f32
        %add3A_406 = vector.broadcast %add3A_405 : f32 to vector<16xf32>
        %add3A_407 = arith.addf %mul3A_404, %add3A_406 : vector<16xf32>
        %mul3A_408 = arith.mulf %add3A_407, %sub3A_385 : vector<16xf32>
        %add3A_409 = arith.constant -0.500000834 : f32
        %add3A_410 = vector.broadcast %add3A_409 : f32 to vector<16xf32>
        %add3A_411 = arith.addf %mul3A_408, %add3A_410 : vector<16xf32>
        %mul3A_412 = arith.constant 0.693147182 : f32
        %mul3A_413 = vector.broadcast %mul3A_412 : f32 to vector<16xf32>
        %mul3A_414 = arith.mulf %convert_element_type3A_378, %mul3A_413 : vector<16xf32>
        %mul3A_415 = arith.mulf %sub3A_385, %sub3A_385 : vector<16xf32>
        %mul3A_416 = arith.mulf %mul3A_415, %add3A_411 : vector<16xf32>
        %add3A_417 = arith.addf %sub3A_385, %mul3A_416 : vector<16xf32>
        %add3A_418 = arith.addf %mul3A_414, %add3A_417 : vector<16xf32>
        %neg3A_419 = arith.constant 0.000000e+00 : f32
        %neg3A_420 = vector.broadcast %neg3A_419 : f32 to vector<16xf32>
        %neg3A_421 = arith.subf %neg3A_420, %add3A_418 : vector<16xf32>
        %add3A_422 = arith.addf %get3A_54, %neg3A_421 : vector<16xf32>
        %gt3A = arith.cmpf ogt, %add3A_422, %scan3A_50 : vector<16xf32>
        %select_n3A_423 = arith.select %gt3A, %add3A_422, %scan3A_50 : vector<16xi1>, vector<16xf32>
        %select_n3A_424 = arith.select %gt3A, %add3A_59, %scan3A_51 : vector<16xi1>, vector<16xi32>
        scf.yield %select_n3A_423, %select_n3A_424 : vector<16xf32>, vector<16xi32>
      }
      %scan3A_48 = arith.constant 512 : i32
      scf.yield %scan3A_47#0, %scan3A_47#1 : vector<16xf32>, vector<16xi32>
    }
    %scan3A_12 = arith.constant 25 : i32
    %swap3A = arith.constant 0 : index
    %swap3A_13 = tpu.vector_load %arg6[%swap3A] {strides = array<i32>} : memref<16xf32, #tpu.memory_space<vmem>>, vector<16xf32>,
    tpu.vector_store %arg6[%swap3A], %scan3A_11#0 {strides = array<i32>} : memref<16xf32, #tpu.memory_space<vmem>>, vector<16xf32>,
    %swap3A_14 = arith.constant 0 : index
    %swap3A_15 = tpu.vector_load %arg7[%swap3A_14] {strides = array<i32>} : memref<16xi32, #tpu.memory_space<vmem>>, vector<16xi32>,
    tpu.vector_store %arg7[%swap3A_14], %scan3A_11#1 {strides = array<i32>} : memref<16xi32, #tpu.memory_space<vmem>>, vector<16xi32>,
    "tpu.region"() ({
      %run_scoped3A = tpu.sem_alloc : memref<!tpu.dma_semaphore, #tpu.memory_space<semaphore_mem>>
      %dma_start3A = arith.constant 0 : i32
      %dma_start3A_36 = tpu.memref_slice %arg3[%mul3A_2, %dma_start3A] : memref<64x16xf32, #tpu.memory_space<hbm>> -> memref<1x16xf32, #tpu.memory_space<hbm>>
      %dma_start3A_37 = tpu.memref_squeeze %dma_start3A_36 : memref<1x16xf32, #tpu.memory_space<hbm>> -> memref<16xf32, #tpu.memory_space<hbm>>
      %dma_start3A_38 = arith.constant 0 : i32
      %dma_start3A_39 = tpu.memref_slice %arg3[%mul3A_2, %dma_start3A_38] : memref<64x16xf32, #tpu.memory_space<hbm>> -> memref<1x16xf32, #tpu.memory_space<hbm>>
      %dma_start3A_40 = tpu.memref_squeeze %dma_start3A_39 : memref<1x16xf32, #tpu.memory_space<hbm>> -> memref<16xf32, #tpu.memory_space<hbm>>
      tpu.enqueue_dma source(%arg6 : memref<16xf32, #tpu.memory_space<vmem>>) target(%dma_start3A_40 : memref<16xf32, #tpu.memory_space<hbm>>) target_semaphore(%run_scoped3A : memref<!tpu.dma_semaphore, #tpu.memory_space<semaphore_mem>>)
      %dma_wait3A = arith.constant 0 : i32
      %dma_wait3A_41 = tpu.memref_slice %arg3[%mul3A_2, %dma_wait3A] : memref<64x16xf32, #tpu.memory_space<hbm>> -> memref<1x16xf32, #tpu.memory_space<hbm>>
      %dma_wait3A_42 = tpu.memref_squeeze %dma_wait3A_41 : memref<1x16xf32, #tpu.memory_space<hbm>> -> memref<16xf32, #tpu.memory_space<hbm>>
      %dma_wait3A_43 = arith.constant 0 : i32
      %dma_wait3A_44 = tpu.memref_slice %arg3[%mul3A_2, %dma_wait3A_43] : memref<64x16xf32, #tpu.memory_space<hbm>> -> memref<1x16xf32, #tpu.memory_space<hbm>>
      %dma_wait3A_45 = tpu.memref_squeeze %dma_wait3A_44 : memref<1x16xf32, #tpu.memory_space<hbm>> -> memref<16xf32, #tpu.memory_space<hbm>>
      tpu.wait_dma2 semaphore(%run_scoped3A : memref<!tpu.dma_semaphore, #tpu.memory_space<semaphore_mem>>) src(%arg6 : memref<16xf32, #tpu.memory_space<vmem>>) dst(%dma_wait3A_45 : memref<16xf32, #tpu.memory_space<hbm>>)
      tpu.yield
    }) : () -> ()
    "tpu.region"() ({
      %run_scoped3A = tpu.sem_alloc : memref<!tpu.dma_semaphore, #tpu.memory_space<semaphore_mem>>
      %dma_start3A = arith.constant 0 : i32
      %dma_start3A_36 = tpu.memref_slice %arg4[%mul3A_2, %dma_start3A] : memref<64x16xi32, #tpu.memory_space<hbm>> -> memref<1x16xi32, #tpu.memory_space<hbm>>
      %dma_start3A_37 = tpu.memref_squeeze %dma_start3A_36 : memref<1x16xi32, #tpu.memory_space<hbm>> -> memref<16xi32, #tpu.memory_space<hbm>>
      %dma_start3A_38 = arith.constant 0 : i32
      %dma_start3A_39 = tpu.memref_slice %arg4[%mul3A_2, %dma_start3A_38] : memref<64x16xi32, #tpu.memory_space<hbm>> -> memref<1x16xi32, #tpu.memory_space<hbm>>
      %dma_start3A_40 = tpu.memref_squeeze %dma_start3A_39 : memref<1x16xi32, #tpu.memory_space<hbm>> -> memref<16xi32, #tpu.memory_space<hbm>>
      tpu.enqueue_dma source(%arg7 : memref<16xi32, #tpu.memory_space<vmem>>) target(%dma_start3A_40 : memref<16xi32, #tpu.memory_space<hbm>>) target_semaphore(%run_scoped3A : memref<!tpu.dma_semaphore, #tpu.memory_space<semaphore_mem>>)
      %dma_wait3A = arith.constant 0 : i32
      %dma_wait3A_41 = tpu.memref_slice %arg4[%mul3A_2, %dma_wait3A] : memref<64x16xi32, #tpu.memory_space<hbm>> -> memref<1x16xi32, #tpu.memory_space<hbm>>
      %dma_wait3A_42 = tpu.memref_squeeze %dma_wait3A_41 : memref<1x16xi32, #tpu.memory_space<hbm>> -> memref<16xi32, #tpu.memory_space<hbm>>
      %dma_wait3A_43 = arith.constant 0 : i32
      %dma_wait3A_44 = tpu.memref_slice %arg4[%mul3A_2, %dma_wait3A_43] : memref<64x16xi32, #tpu.memory_space<hbm>> -> memref<1x16xi32, #tpu.memory_space<hbm>>
      %dma_wait3A_45 = tpu.memref_squeeze %dma_wait3A_44 : memref<1x16xi32, #tpu.memory_space<hbm>> -> memref<16xi32, #tpu.memory_space<hbm>>
      tpu.wait_dma2 semaphore(%run_scoped3A : memref<!tpu.dma_semaphore, #tpu.memory_space<semaphore_mem>>) src(%arg7 : memref<16xi32, #tpu.memory_space<vmem>>) dst(%dma_wait3A_45 : memref<16xi32, #tpu.memory_space<hbm>>)
      tpu.yield
    }) : () -> ()
    %mul3A_16 = arith.constant 2 : i32
    %mul3A_17 = arith.muli %add3A, %mul3A_16 : i32
    %add3A_18 = arith.constant 1 : i32
    %add3A_19 = arith.addi %mul3A_17, %add3A_18 : i32
    %mul3A_20 = arith.constant 1000000 : i32
    %mul3A_21 = arith.muli %add3A_19, %mul3A_20 : i32
    %broadcast_in_dim3A_22 = arith.constant 0xFF800000 : f32
    %broadcast_in_dim3A_23 = vector.broadcast %broadcast_in_dim3A_22 : f32 to vector<16xf32>
    %broadcast_in_dim3A_24 = arith.constant 0 : i32
    %broadcast_in_dim3A_25 = vector.broadcast %broadcast_in_dim3A_24 : i32 to vector<16xi32>
    %scan3A_26 = arith.constant 0 : i32
    %scan3A_27 = arith.constant 25 : i32
    %scan3A_28 = arith.addi %scan3A_26, %scan3A_27 : i32
    %scan3A_29 = arith.constant 1 : i32
    %scan3A_30:2 = scf.for %scan3A_36 = %scan3A_26 to %scan3A_28 step %scan3A_29 iter_args(%scan3A_37 = %broadcast_in_dim3A_23, %scan3A_38 = %broadcast_in_dim3A_25) -> (vector<16xf32>, vector<16xi32>)  : i32 {
      %mul3A_39 = arith.constant 8192 : i32
      %mul3A_40 = arith.muli %scan3A_36, %mul3A_39 : i32
      %add3A_41 = arith.constant 794624 : i32
      %add3A_42 = arith.addi %add3A_41, %mul3A_40 : i32
      "tpu.region"() ({
        %run_scoped3A = tpu.sem_alloc : memref<!tpu.dma_semaphore, #tpu.memory_space<semaphore_mem>>
        %dma_start3A = tpu.memref_slice %arg2[%add3A_19, %add3A_42] : memref<64x1000000xf32, #tpu.memory_space<hbm>> -> memref<1x8192xf32, #tpu.memory_space<hbm>>
        %dma_start3A_49 = tpu.memref_squeeze %dma_start3A : memref<1x8192xf32, #tpu.memory_space<hbm>> -> memref<8192xf32, #tpu.memory_space<hbm>>
        %dma_start3A_50 = tpu.memref_slice %arg2[%add3A_19, %add3A_42] : memref<64x1000000xf32, #tpu.memory_space<hbm>> -> memref<1x8192xf32, #tpu.memory_space<hbm>>
        %dma_start3A_51 = tpu.memref_squeeze %dma_start3A_50 : memref<1x8192xf32, #tpu.memory_space<hbm>> -> memref<8192xf32, #tpu.memory_space<hbm>>
        tpu.enqueue_dma source(%dma_start3A_51 : memref<8192xf32, #tpu.memory_space<hbm>>) target(%arg5 : memref<8192xf32, #tpu.memory_space<vmem>>) target_semaphore(%run_scoped3A : memref<!tpu.dma_semaphore, #tpu.memory_space<semaphore_mem>>)
        %dma_wait3A = tpu.memref_slice %arg2[%add3A_19, %add3A_42] : memref<64x1000000xf32, #tpu.memory_space<hbm>> -> memref<1x8192xf32, #tpu.memory_space<hbm>>
        %dma_wait3A_52 = tpu.memref_squeeze %dma_wait3A : memref<1x8192xf32, #tpu.memory_space<hbm>> -> memref<8192xf32, #tpu.memory_space<hbm>>
        %dma_wait3A_53 = tpu.memref_slice %arg2[%add3A_19, %add3A_42] : memref<64x1000000xf32, #tpu.memory_space<hbm>> -> memref<1x8192xf32, #tpu.memory_space<hbm>>
        %dma_wait3A_54 = tpu.memref_squeeze %dma_wait3A_53 : memref<1x8192xf32, #tpu.memory_space<hbm>> -> memref<8192xf32, #tpu.memory_space<hbm>>
        tpu.wait_dma2 semaphore(%run_scoped3A : memref<!tpu.dma_semaphore, #tpu.memory_space<semaphore_mem>>) src(%dma_wait3A_54 : memref<8192xf32, #tpu.memory_space<hbm>>) dst(%arg5 : memref<8192xf32, #tpu.memory_space<vmem>>)
        tpu.yield
      }) : () -> ()
      %scan3A_43 = arith.constant 0 : i32
      %scan3A_44 = arith.constant 512 : i32
      %scan3A_45 = arith.addi %scan3A_43, %scan3A_44 : i32
      %scan3A_46 = arith.constant 1 : i32
      %scan3A_47:2 = scf.for %scan3A_49 = %scan3A_43 to %scan3A_45 step %scan3A_46 iter_args(%scan3A_50 = %scan3A_37, %scan3A_51 = %scan3A_38) -> (vector<16xf32>, vector<16xi32>)  : i32 {
        %mul3A_52 = arith.constant 16 : i32
        %mul3A_53 = arith.muli %scan3A_49, %mul3A_52 : i32
        %get3A = arith.index_cast %mul3A_53 : i32 to index
        %get3A_54 = tpu.vector_load %arg5[%get3A] {strides = array<i32>} : memref<8192xf32, #tpu.memory_space<vmem>>, vector<16xf32>,
        %mul3A_55 = arith.constant 16 : i32
        %mul3A_56 = arith.muli %scan3A_49, %mul3A_55 : i32
        %add3A_57 = arith.addi %add3A_42, %mul3A_56 : i32
        %add3A_58 = vector.broadcast %add3A_57 : i32 to vector<16xi32>
        %add3A_59 = arith.addi %add3A_58, %iota3A : vector<16xi32>
        %add3A_60 = vector.broadcast %mul3A_21 : i32 to vector<16xi32>
        %add3A_61 = arith.addi %add3A_60, %add3A_59 : vector<16xi32>
        %broadcast_in_dim3A_62 = arith.constant 928981903 : i32
        %broadcast_in_dim3A_63 = vector.broadcast %broadcast_in_dim3A_62 : i32 to vector<16xi32>
        %add3A_64 = arith.constant -841280227 : i32
        %add3A_65 = vector.broadcast %add3A_64 : i32 to vector<16xi32>
        %add3A_66 = arith.addi %add3A_61, %add3A_65 : vector<16xi32>
        %add3A_67 = arith.addi %broadcast_in_dim3A_63, %add3A_66 : vector<16xi32>
        %shift_left3A = arith.constant 13 : i32
        %shift_left3A_68 = vector.broadcast %shift_left3A : i32 to vector<16xi32>
        %shift_left3A_69 = arith.shli %add3A_66, %shift_left3A_68 : vector<16xi32>
        %shift_right_logical3A = arith.constant 19 : i32
        %shift_right_logical3A_70 = vector.broadcast %shift_right_logical3A : i32 to vector<16xi32>
        %shift_right_logical3A_71 = arith.shrui %add3A_66, %shift_right_logical3A_70 : vector<16xi32>
        %or3A = arith.ori %shift_left3A_69, %shift_right_logical3A_71 : vector<16xi32>
        %xor3A = arith.xori %add3A_67, %or3A : vector<16xi32>
        %add3A_72 = arith.addi %add3A_67, %xor3A : vector<16xi32>
        %shift_left3A_73 = arith.constant 15 : i32
        %shift_left3A_74 = vector.broadcast %shift_left3A_73 : i32 to vector<16xi32>
        %shift_left3A_75 = arith.shli %xor3A, %shift_left3A_74 : vector<16xi32>
        %shift_right_logical3A_76 = arith.constant 17 : i32
        %shift_right_logical3A_77 = vector.broadcast %shift_right_logical3A_76 : i32 to vector<16xi32>
        %shift_right_logical3A_78 = arith.shrui %xor3A, %shift_right_logical3A_77 : vector<16xi32>
        %or3A_79 = arith.ori %shift_left3A_75, %shift_right_logical3A_78 : vector<16xi32>
        %xor3A_80 = arith.xori %add3A_72, %or3A_79 : vector<16xi32>
        %add3A_81 = arith.addi %add3A_72, %xor3A_80 : vector<16xi32>
        %shift_left3A_82 = arith.constant 26 : i32
        %shift_left3A_83 = vector.broadcast %shift_left3A_82 : i32 to vector<16xi32>
        %shift_left3A_84 = arith.shli %xor3A_80, %shift_left3A_83 : vector<16xi32>
        %shift_right_logical3A_85 = arith.constant 6 : i32
        %shift_right_logical3A_86 = vector.broadcast %shift_right_logical3A_85 : i32 to vector<16xi32>
        %shift_right_logical3A_87 = arith.shrui %xor3A_80, %shift_right_logical3A_86 : vector<16xi32>
        %or3A_88 = arith.ori %shift_left3A_84, %shift_right_logical3A_87 : vector<16xi32>
        %xor3A_89 = arith.xori %add3A_81, %or3A_88 : vector<16xi32>
        %add3A_90 = arith.addi %add3A_81, %xor3A_89 : vector<16xi32>
        %shift_left3A_91 = arith.constant 6 : i32
        %shift_left3A_92 = vector.broadcast %shift_left3A_91 : i32 to vector<16xi32>
        %shift_left3A_93 = arith.shli %xor3A_89, %shift_left3A_92 : vector<16xi32>
        %shift_right_logical3A_94 = arith.constant 26 : i32
        %shift_right_logical3A_95 = vector.broadcast %shift_right_logical3A_94 : i32 to vector<16xi32>
        %shift_right_logical3A_96 = arith.shrui %xor3A_89, %shift_right_logical3A_95 : vector<16xi32>
        %or3A_97 = arith.ori %shift_left3A_93, %shift_right_logical3A_96 : vector<16xi32>
        %xor3A_98 = arith.xori %add3A_90, %or3A_97 : vector<16xi32>
        %add3A_99 = arith.constant -841280227 : i32
        %add3A_100 = vector.broadcast %add3A_99 : i32 to vector<16xi32>
        %add3A_101 = arith.addi %add3A_90, %add3A_100 : vector<16xi32>
        %add3A_102 = arith.constant -514511544 : i32
        %add3A_103 = vector.broadcast %add3A_102 : i32 to vector<16xi32>
        %add3A_104 = arith.addi %xor3A_98, %add3A_103 : vector<16xi32>
        %add3A_105 = arith.constant 1 : i32
        %add3A_106 = vector.broadcast %add3A_105 : i32 to vector<16xi32>
        %add3A_107 = arith.addi %add3A_104, %add3A_106 : vector<16xi32>
        %add3A_108 = arith.addi %add3A_101, %add3A_107 : vector<16xi32>
        %shift_left3A_109 = arith.constant 17 : i32
        %shift_left3A_110 = vector.broadcast %shift_left3A_109 : i32 to vector<16xi32>
        %shift_left3A_111 = arith.shli %add3A_107, %shift_left3A_110 : vector<16xi32>
        %shift_right_logical3A_112 = arith.constant 15 : i32
        %shift_right_logical3A_113 = vector.broadcast %shift_right_logical3A_112 : i32 to vector<16xi32>
        %shift_right_logical3A_114 = arith.shrui %add3A_107, %shift_right_logical3A_113 : vector<16xi32>
        %or3A_115 = arith.ori %shift_left3A_111, %shift_right_logical3A_114 : vector<16xi32>
        %xor3A_116 = arith.xori %add3A_108, %or3A_115 : vector<16xi32>
        %add3A_117 = arith.addi %add3A_108, %xor3A_116 : vector<16xi32>
        %shift_left3A_118 = arith.constant 29 : i32
        %shift_left3A_119 = vector.broadcast %shift_left3A_118 : i32 to vector<16xi32>
        %shift_left3A_120 = arith.shli %xor3A_116, %shift_left3A_119 : vector<16xi32>
        %shift_right_logical3A_121 = arith.constant 3 : i32
        %shift_right_logical3A_122 = vector.broadcast %shift_right_logical3A_121 : i32 to vector<16xi32>
        %shift_right_logical3A_123 = arith.shrui %xor3A_116, %shift_right_logical3A_122 : vector<16xi32>
        %or3A_124 = arith.ori %shift_left3A_120, %shift_right_logical3A_123 : vector<16xi32>
        %xor3A_125 = arith.xori %add3A_117, %or3A_124 : vector<16xi32>
        %add3A_126 = arith.addi %add3A_117, %xor3A_125 : vector<16xi32>
        %shift_left3A_127 = arith.constant 16 : i32
        %shift_left3A_128 = vector.broadcast %shift_left3A_127 : i32 to vector<16xi32>
        %shift_left3A_129 = arith.shli %xor3A_125, %shift_left3A_128 : vector<16xi32>
        %shift_right_logical3A_130 = arith.constant 16 : i32
        %shift_right_logical3A_131 = vector.broadcast %shift_right_logical3A_130 : i32 to vector<16xi32>
        %shift_right_logical3A_132 = arith.shrui %xor3A_125, %shift_right_logical3A_131 : vector<16xi32>
        %or3A_133 = arith.ori %shift_left3A_129, %shift_right_logical3A_132 : vector<16xi32>
        %xor3A_134 = arith.xori %add3A_126, %or3A_133 : vector<16xi32>
        %add3A_135 = arith.addi %add3A_126, %xor3A_134 : vector<16xi32>
        %shift_left3A_136 = arith.constant 24 : i32
        %shift_left3A_137 = vector.broadcast %shift_left3A_136 : i32 to vector<16xi32>
        %shift_left3A_138 = arith.shli %xor3A_134, %shift_left3A_137 : vector<16xi32>
        %shift_right_logical3A_139 = arith.constant 8 : i32
        %shift_right_logical3A_140 = vector.broadcast %shift_right_logical3A_139 : i32 to vector<16xi32>
        %shift_right_logical3A_141 = arith.shrui %xor3A_134, %shift_right_logical3A_140 : vector<16xi32>
        %or3A_142 = arith.ori %shift_left3A_138, %shift_right_logical3A_141 : vector<16xi32>
        %xor3A_143 = arith.xori %add3A_135, %or3A_142 : vector<16xi32>
        %add3A_144 = arith.constant -514511544 : i32
        %add3A_145 = vector.broadcast %add3A_144 : i32 to vector<16xi32>
        %add3A_146 = arith.addi %add3A_135, %add3A_145 : vector<16xi32>
        %add3A_147 = arith.constant 928981903 : i32
        %add3A_148 = vector.broadcast %add3A_147 : i32 to vector<16xi32>
        %add3A_149 = arith.addi %xor3A_143, %add3A_148 : vector<16xi32>
        %add3A_150 = arith.constant 2 : i32
        %add3A_151 = vector.broadcast %add3A_150 : i32 to vector<16xi32>
        %add3A_152 = arith.addi %add3A_149, %add3A_151 : vector<16xi32>
        %add3A_153 = arith.addi %add3A_146, %add3A_152 : vector<16xi32>
        %shift_left3A_154 = arith.constant 13 : i32
        %shift_left3A_155 = vector.broadcast %shift_left3A_154 : i32 to vector<16xi32>
        %shift_left3A_156 = arith.shli %add3A_152, %shift_left3A_155 : vector<16xi32>
        %shift_right_logical3A_157 = arith.constant 19 : i32
        %shift_right_logical3A_158 = vector.broadcast %shift_right_logical3A_157 : i32 to vector<16xi32>
        %shift_right_logical3A_159 = arith.shrui %add3A_152, %shift_right_logical3A_158 : vector<16xi32>
        %or3A_160 = arith.ori %shift_left3A_156, %shift_right_logical3A_159 : vector<16xi32>
        %xor3A_161 = arith.xori %add3A_153, %or3A_160 : vector<16xi32>
        %add3A_162 = arith.addi %add3A_153, %xor3A_161 : vector<16xi32>
        %shift_left3A_163 = arith.constant 15 : i32
        %shift_left3A_164 = vector.broadcast %shift_left3A_163 : i32 to vector<16xi32>
        %shift_left3A_165 = arith.shli %xor3A_161, %shift_left3A_164 : vector<16xi32>
        %shift_right_logical3A_166 = arith.constant 17 : i32
        %shift_right_logical3A_167 = vector.broadcast %shift_right_logical3A_166 : i32 to vector<16xi32>
        %shift_right_logical3A_168 = arith.shrui %xor3A_161, %shift_right_logical3A_167 : vector<16xi32>
        %or3A_169 = arith.ori %shift_left3A_165, %shift_right_logical3A_168 : vector<16xi32>
        %xor3A_170 = arith.xori %add3A_162, %or3A_169 : vector<16xi32>
        %add3A_171 = arith.addi %add3A_162, %xor3A_170 : vector<16xi32>
        %shift_left3A_172 = arith.constant 26 : i32
        %shift_left3A_173 = vector.broadcast %shift_left3A_172 : i32 to vector<16xi32>
        %shift_left3A_174 = arith.shli %xor3A_170, %shift_left3A_173 : vector<16xi32>
        %shift_right_logical3A_175 = arith.constant 6 : i32
        %shift_right_logical3A_176 = vector.broadcast %shift_right_logical3A_175 : i32 to vector<16xi32>
        %shift_right_logical3A_177 = arith.shrui %xor3A_170, %shift_right_logical3A_176 : vector<16xi32>
        %or3A_178 = arith.ori %shift_left3A_174, %shift_right_logical3A_177 : vector<16xi32>
        %xor3A_179 = arith.xori %add3A_171, %or3A_178 : vector<16xi32>
        %add3A_180 = arith.addi %add3A_171, %xor3A_179 : vector<16xi32>
        %shift_left3A_181 = arith.constant 6 : i32
        %shift_left3A_182 = vector.broadcast %shift_left3A_181 : i32 to vector<16xi32>
        %shift_left3A_183 = arith.shli %xor3A_179, %shift_left3A_182 : vector<16xi32>
        %shift_right_logical3A_184 = arith.constant 26 : i32
        %shift_right_logical3A_185 = vector.broadcast %shift_right_logical3A_184 : i32 to vector<16xi32>
        %shift_right_logical3A_186 = arith.shrui %xor3A_179, %shift_right_logical3A_185 : vector<16xi32>
        %or3A_187 = arith.ori %shift_left3A_183, %shift_right_logical3A_186 : vector<16xi32>
        %xor3A_188 = arith.xori %add3A_180, %or3A_187 : vector<16xi32>
        %add3A_189 = arith.constant 928981903 : i32
        %add3A_190 = vector.broadcast %add3A_189 : i32 to vector<16xi32>
        %add3A_191 = arith.addi %add3A_180, %add3A_190 : vector<16xi32>
        %add3A_192 = arith.constant -841280227 : i32
        %add3A_193 = vector.broadcast %add3A_192 : i32 to vector<16xi32>
        %add3A_194 = arith.addi %xor3A_188, %add3A_193 : vector<16xi32>
        %add3A_195 = arith.constant 3 : i32
        %add3A_196 = vector.broadcast %add3A_195 : i32 to vector<16xi32>
        %add3A_197 = arith.addi %add3A_194, %add3A_196 : vector<16xi32>
        %add3A_198 = arith.addi %add3A_191, %add3A_197 : vector<16xi32>
        %shift_left3A_199 = arith.constant 17 : i32
        %shift_left3A_200 = vector.broadcast %shift_left3A_199 : i32 to vector<16xi32>
        %shift_left3A_201 = arith.shli %add3A_197, %shift_left3A_200 : vector<16xi32>
        %shift_right_logical3A_202 = arith.constant 15 : i32
        %shift_right_logical3A_203 = vector.broadcast %shift_right_logical3A_202 : i32 to vector<16xi32>
        %shift_right_logical3A_204 = arith.shrui %add3A_197, %shift_right_logical3A_203 : vector<16xi32>
        %or3A_205 = arith.ori %shift_left3A_201, %shift_right_logical3A_204 : vector<16xi32>
        %xor3A_206 = arith.xori %add3A_198, %or3A_205 : vector<16xi32>
        %add3A_207 = arith.addi %add3A_198, %xor3A_206 : vector<16xi32>
        %shift_left3A_208 = arith.constant 29 : i32
        %shift_left3A_209 = vector.broadcast %shift_left3A_208 : i32 to vector<16xi32>
        %shift_left3A_210 = arith.shli %xor3A_206, %shift_left3A_209 : vector<16xi32>
        %shift_right_logical3A_211 = arith.constant 3 : i32
        %shift_right_logical3A_212 = vector.broadcast %shift_right_logical3A_211 : i32 to vector<16xi32>
        %shift_right_logical3A_213 = arith.shrui %xor3A_206, %shift_right_logical3A_212 : vector<16xi32>
        %or3A_214 = arith.ori %shift_left3A_210, %shift_right_logical3A_213 : vector<16xi32>
        %xor3A_215 = arith.xori %add3A_207, %or3A_214 : vector<16xi32>
        %add3A_216 = arith.addi %add3A_207, %xor3A_215 : vector<16xi32>
        %shift_left3A_217 = arith.constant 16 : i32
        %shift_left3A_218 = vector.broadcast %shift_left3A_217 : i32 to vector<16xi32>
        %shift_left3A_219 = arith.shli %xor3A_215, %shift_left3A_218 : vector<16xi32>
        %shift_right_logical3A_220 = arith.constant 16 : i32
        %shift_right_logical3A_221 = vector.broadcast %shift_right_logical3A_220 : i32 to vector<16xi32>
        %shift_right_logical3A_222 = arith.shrui %xor3A_215, %shift_right_logical3A_221 : vector<16xi32>
        %or3A_223 = arith.ori %shift_left3A_219, %shift_right_logical3A_222 : vector<16xi32>
        %xor3A_224 = arith.xori %add3A_216, %or3A_223 : vector<16xi32>
        %add3A_225 = arith.addi %add3A_216, %xor3A_224 : vector<16xi32>
        %shift_left3A_226 = arith.constant 24 : i32
        %shift_left3A_227 = vector.broadcast %shift_left3A_226 : i32 to vector<16xi32>
        %shift_left3A_228 = arith.shli %xor3A_224, %shift_left3A_227 : vector<16xi32>
        %shift_right_logical3A_229 = arith.constant 8 : i32
        %shift_right_logical3A_230 = vector.broadcast %shift_right_logical3A_229 : i32 to vector<16xi32>
        %shift_right_logical3A_231 = arith.shrui %xor3A_224, %shift_right_logical3A_230 : vector<16xi32>
        %or3A_232 = arith.ori %shift_left3A_228, %shift_right_logical3A_231 : vector<16xi32>
        %xor3A_233 = arith.xori %add3A_225, %or3A_232 : vector<16xi32>
        %add3A_234 = arith.constant -841280227 : i32
        %add3A_235 = vector.broadcast %add3A_234 : i32 to vector<16xi32>
        %add3A_236 = arith.addi %add3A_225, %add3A_235 : vector<16xi32>
        %add3A_237 = arith.constant -514511544 : i32
        %add3A_238 = vector.broadcast %add3A_237 : i32 to vector<16xi32>
        %add3A_239 = arith.addi %xor3A_233, %add3A_238 : vector<16xi32>
        %add3A_240 = arith.constant 4 : i32
        %add3A_241 = vector.broadcast %add3A_240 : i32 to vector<16xi32>
        %add3A_242 = arith.addi %add3A_239, %add3A_241 : vector<16xi32>
        %add3A_243 = arith.addi %add3A_236, %add3A_242 : vector<16xi32>
        %shift_left3A_244 = arith.constant 13 : i32
        %shift_left3A_245 = vector.broadcast %shift_left3A_244 : i32 to vector<16xi32>
        %shift_left3A_246 = arith.shli %add3A_242, %shift_left3A_245 : vector<16xi32>
        %shift_right_logical3A_247 = arith.constant 19 : i32
        %shift_right_logical3A_248 = vector.broadcast %shift_right_logical3A_247 : i32 to vector<16xi32>
        %shift_right_logical3A_249 = arith.shrui %add3A_242, %shift_right_logical3A_248 : vector<16xi32>
        %or3A_250 = arith.ori %shift_left3A_246, %shift_right_logical3A_249 : vector<16xi32>
        %xor3A_251 = arith.xori %add3A_243, %or3A_250 : vector<16xi32>
        %add3A_252 = arith.addi %add3A_243, %xor3A_251 : vector<16xi32>
        %shift_left3A_253 = arith.constant 15 : i32
        %shift_left3A_254 = vector.broadcast %shift_left3A_253 : i32 to vector<16xi32>
        %shift_left3A_255 = arith.shli %xor3A_251, %shift_left3A_254 : vector<16xi32>
        %shift_right_logical3A_256 = arith.constant 17 : i32
        %shift_right_logical3A_257 = vector.broadcast %shift_right_logical3A_256 : i32 to vector<16xi32>
        %shift_right_logical3A_258 = arith.shrui %xor3A_251, %shift_right_logical3A_257 : vector<16xi32>
        %or3A_259 = arith.ori %shift_left3A_255, %shift_right_logical3A_258 : vector<16xi32>
        %xor3A_260 = arith.xori %add3A_252, %or3A_259 : vector<16xi32>
        %add3A_261 = arith.addi %add3A_252, %xor3A_260 : vector<16xi32>
        %shift_left3A_262 = arith.constant 26 : i32
        %shift_left3A_263 = vector.broadcast %shift_left3A_262 : i32 to vector<16xi32>
        %shift_left3A_264 = arith.shli %xor3A_260, %shift_left3A_263 : vector<16xi32>
        %shift_right_logical3A_265 = arith.constant 6 : i32
        %shift_right_logical3A_266 = vector.broadcast %shift_right_logical3A_265 : i32 to vector<16xi32>
        %shift_right_logical3A_267 = arith.shrui %xor3A_260, %shift_right_logical3A_266 : vector<16xi32>
        %or3A_268 = arith.ori %shift_left3A_264, %shift_right_logical3A_267 : vector<16xi32>
        %xor3A_269 = arith.xori %add3A_261, %or3A_268 : vector<16xi32>
        %add3A_270 = arith.addi %add3A_261, %xor3A_269 : vector<16xi32>
        %shift_left3A_271 = arith.constant 6 : i32
        %shift_left3A_272 = vector.broadcast %shift_left3A_271 : i32 to vector<16xi32>
        %shift_left3A_273 = arith.shli %xor3A_269, %shift_left3A_272 : vector<16xi32>
        %shift_right_logical3A_274 = arith.constant 26 : i32
        %shift_right_logical3A_275 = vector.broadcast %shift_right_logical3A_274 : i32 to vector<16xi32>
        %shift_right_logical3A_276 = arith.shrui %xor3A_269, %shift_right_logical3A_275 : vector<16xi32>
        %or3A_277 = arith.ori %shift_left3A_273, %shift_right_logical3A_276 : vector<16xi32>
        %xor3A_278 = arith.xori %add3A_270, %or3A_277 : vector<16xi32>
        %add3A_279 = arith.constant -514511544 : i32
        %add3A_280 = vector.broadcast %add3A_279 : i32 to vector<16xi32>
        %add3A_281 = arith.addi %add3A_270, %add3A_280 : vector<16xi32>
        %add3A_282 = arith.constant 928981903 : i32
        %add3A_283 = vector.broadcast %add3A_282 : i32 to vector<16xi32>
        %add3A_284 = arith.addi %xor3A_278, %add3A_283 : vector<16xi32>
        %add3A_285 = arith.constant 5 : i32
        %add3A_286 = vector.broadcast %add3A_285 : i32 to vector<16xi32>
        %add3A_287 = arith.addi %add3A_284, %add3A_286 : vector<16xi32>
        %xor3A_288 = arith.xori %add3A_281, %add3A_287 : vector<16xi32>
        %shift_right_logical3A_289 = arith.constant 9 : i32
        %shift_right_logical3A_290 = vector.broadcast %shift_right_logical3A_289 : i32 to vector<16xi32>
        %shift_right_logical3A_291 = arith.shrui %xor3A_288, %shift_right_logical3A_290 : vector<16xi32>
        %or3A_292 = arith.constant 1065353216 : i32
        %or3A_293 = vector.broadcast %or3A_292 : i32 to vector<16xi32>
        %or3A_294 = arith.ori %shift_right_logical3A_291, %or3A_293 : vector<16xi32>
        %bitcast_convert_type3A = tpu.bitcast %or3A_294 : vector<16xi32> -> vector<16xf32>
        %sub3A = arith.constant 1.000000e+00 : f32
        %sub3A_295 = vector.broadcast %sub3A : f32 to vector<16xf32>
        %sub3A_296 = arith.subf %bitcast_convert_type3A, %sub3A_295 : vector<16xf32>
        %bitcast_convert_type3A_297 = tpu.bitcast %sub3A_296 : vector<16xf32> -> vector<16xi32>
        %shift_right_logical3A_298 = arith.constant 23 : i32
        %shift_right_logical3A_299 = vector.broadcast %shift_right_logical3A_298 : i32 to vector<16xi32>
        %shift_right_logical3A_300 = arith.shrui %bitcast_convert_type3A_297, %shift_right_logical3A_299 : vector<16xi32>
        %sub3A_301 = arith.constant 127 : i32
        %sub3A_302 = vector.broadcast %sub3A_301 : i32 to vector<16xi32>
        %sub3A_303 = arith.subi %shift_right_logical3A_300, %sub3A_302 : vector<16xi32>
        %and3A = arith.constant 8388607 : i32
        %and3A_304 = vector.broadcast %and3A : i32 to vector<16xi32>
        %and3A_305 = arith.andi %bitcast_convert_type3A_297, %and3A_304 : vector<16xi32>
        %or3A_306 = arith.constant 1065353216 : i32
        %or3A_307 = vector.broadcast %or3A_306 : i32 to vector<16xi32>
        %or3A_308 = arith.ori %and3A_305, %or3A_307 : vector<16xi32>
        %bitcast_convert_type3A_309 = tpu.bitcast %or3A_308 : vector<16xi32> -> vector<16xf32>
        %ge3A = arith.constant 1.41421354 : f32
        %ge3A_310 = vector.broadcast %ge3A : f32 to vector<16xf32>
        %ge3A_311 = arith.cmpf oge, %bitcast_convert_type3A_309, %ge3A_310 : vector<16xf32>
        %add3A_312 = arith.constant 1 : i32
        %add3A_313 = vector.broadcast %add3A_312 : i32 to vector<16xi32>
        %add3A_314 = arith.addi %sub3A_303, %add3A_313 : vector<16xi32>
        %select_n3A = arith.select %ge3A_311, %add3A_314, %sub3A_303 : vector<16xi1>, vector<16xi32>
        %convert_element_type3A = arith.sitofp %select_n3A : vector<16xi32> to vector<16xf32>
        %mul3A_315 = arith.constant 5.000000e-01 : f32
        %mul3A_316 = vector.broadcast %mul3A_315 : f32 to vector<16xf32>
        %mul3A_317 = arith.mulf %bitcast_convert_type3A_309, %mul3A_316 : vector<16xf32>
        %select_n3A_318 = arith.select %ge3A_311, %mul3A_317, %bitcast_convert_type3A_309 : vector<16xi1>, vector<16xf32>
        %sub3A_319 = arith.constant 1.000000e+00 : f32
        %sub3A_320 = vector.broadcast %sub3A_319 : f32 to vector<16xf32>
        %sub3A_321 = arith.subf %select_n3A_318, %sub3A_320 : vector<16xf32>
        %mul3A_322 = arith.constant -0.104344197 : f32
        %mul3A_323 = vector.broadcast %mul3A_322 : f32 to vector<16xf32>
        %mul3A_324 = arith.mulf %mul3A_323, %sub3A_321 : vector<16xf32>
        %add3A_325 = arith.constant 0.160803497 : f32
        %add3A_326 = vector.broadcast %add3A_325 : f32 to vector<16xf32>
        %add3A_327 = arith.addf %mul3A_324, %add3A_326 : vector<16xf32>
        %mul3A_328 = arith.mulf %add3A_327, %sub3A_321 : vector<16xf32>
        %add3A_329 = arith.constant -0.171021074 : f32
        %add3A_330 = vector.broadcast %add3A_329 : f32 to vector<16xf32>
        %add3A_331 = arith.addf %mul3A_328, %add3A_330 : vector<16xf32>
        %mul3A_332 = arith.mulf %add3A_331, %sub3A_321 : vector<16xf32>
        %add3A_333 = arith.constant 0.199182123 : f32
        %add3A_334 = vector.broadcast %add3A_333 : f32 to vector<16xf32>
        %add3A_335 = arith.addf %mul3A_332, %add3A_334 : vector<16xf32>
        %mul3A_336 = arith.mulf %add3A_335, %sub3A_321 : vector<16xf32>
        %add3A_337 = arith.constant -0.249834478 : f32
        %add3A_338 = vector.broadcast %add3A_337 : f32 to vector<16xf32>
        %add3A_339 = arith.addf %mul3A_336, %add3A_338 : vector<16xf32>
        %mul3A_340 = arith.mulf %add3A_339, %sub3A_321 : vector<16xf32>
        %add3A_341 = arith.constant 0.333343536 : f32
        %add3A_342 = vector.broadcast %add3A_341 : f32 to vector<16xf32>
        %add3A_343 = arith.addf %mul3A_340, %add3A_342 : vector<16xf32>
        %mul3A_344 = arith.mulf %add3A_343, %sub3A_321 : vector<16xf32>
        %add3A_345 = arith.constant -0.500000834 : f32
        %add3A_346 = vector.broadcast %add3A_345 : f32 to vector<16xf32>
        %add3A_347 = arith.addf %mul3A_344, %add3A_346 : vector<16xf32>
        %mul3A_348 = arith.constant 0.693147182 : f32
        %mul3A_349 = vector.broadcast %mul3A_348 : f32 to vector<16xf32>
        %mul3A_350 = arith.mulf %convert_element_type3A, %mul3A_349 : vector<16xf32>
        %mul3A_351 = arith.mulf %sub3A_321, %sub3A_321 : vector<16xf32>
        %mul3A_352 = arith.mulf %mul3A_351, %add3A_347 : vector<16xf32>
        %add3A_353 = arith.addf %sub3A_321, %mul3A_352 : vector<16xf32>
        %add3A_354 = arith.addf %mul3A_350, %add3A_353 : vector<16xf32>
        %neg3A = arith.constant 0.000000e+00 : f32
        %neg3A_355 = vector.broadcast %neg3A : f32 to vector<16xf32>
        %neg3A_356 = arith.subf %neg3A_355, %add3A_354 : vector<16xf32>
        %bitcast_convert_type3A_357 = tpu.bitcast %neg3A_356 : vector<16xf32> -> vector<16xi32>
        %shift_right_logical3A_358 = arith.constant 23 : i32
        %shift_right_logical3A_359 = vector.broadcast %shift_right_logical3A_358 : i32 to vector<16xi32>
        %shift_right_logical3A_360 = arith.shrui %bitcast_convert_type3A_357, %shift_right_logical3A_359 : vector<16xi32>
        %sub3A_361 = arith.constant 127 : i32
        %sub3A_362 = vector.broadcast %sub3A_361 : i32 to vector<16xi32>
        %sub3A_363 = arith.subi %shift_right_logical3A_360, %sub3A_362 : vector<16xi32>
        %and3A_364 = arith.constant 8388607 : i32
        %and3A_365 = vector.broadcast %and3A_364 : i32 to vector<16xi32>
        %and3A_366 = arith.andi %bitcast_convert_type3A_357, %and3A_365 : vector<16xi32>
        %or3A_367 = arith.constant 1065353216 : i32
        %or3A_368 = vector.broadcast %or3A_367 : i32 to vector<16xi32>
        %or3A_369 = arith.ori %and3A_366, %or3A_368 : vector<16xi32>
        %bitcast_convert_type3A_370 = tpu.bitcast %or3A_369 : vector<16xi32> -> vector<16xf32>
        %ge3A_371 = arith.constant 1.41421354 : f32
        %ge3A_372 = vector.broadcast %ge3A_371 : f32 to vector<16xf32>
        %ge3A_373 = arith.cmpf oge, %bitcast_convert_type3A_370, %ge3A_372 : vector<16xf32>
        %add3A_374 = arith.constant 1 : i32
        %add3A_375 = vector.broadcast %add3A_374 : i32 to vector<16xi32>
        %add3A_376 = arith.addi %sub3A_363, %add3A_375 : vector<16xi32>
        %select_n3A_377 = arith.select %ge3A_373, %add3A_376, %sub3A_363 : vector<16xi1>, vector<16xi32>
        %convert_element_type3A_378 = arith.sitofp %select_n3A_377 : vector<16xi32> to vector<16xf32>
        %mul3A_379 = arith.constant 5.000000e-01 : f32
        %mul3A_380 = vector.broadcast %mul3A_379 : f32 to vector<16xf32>
        %mul3A_381 = arith.mulf %bitcast_convert_type3A_370, %mul3A_380 : vector<16xf32>
        %select_n3A_382 = arith.select %ge3A_373, %mul3A_381, %bitcast_convert_type3A_370 : vector<16xi1>, vector<16xf32>
        %sub3A_383 = arith.constant 1.000000e+00 : f32
        %sub3A_384 = vector.broadcast %sub3A_383 : f32 to vector<16xf32>
        %sub3A_385 = arith.subf %select_n3A_382, %sub3A_384 : vector<16xf32>
        %mul3A_386 = arith.constant -0.104344197 : f32
        %mul3A_387 = vector.broadcast %mul3A_386 : f32 to vector<16xf32>
        %mul3A_388 = arith.mulf %mul3A_387, %sub3A_385 : vector<16xf32>
        %add3A_389 = arith.constant 0.160803497 : f32
        %add3A_390 = vector.broadcast %add3A_389 : f32 to vector<16xf32>
        %add3A_391 = arith.addf %mul3A_388, %add3A_390 : vector<16xf32>
        %mul3A_392 = arith.mulf %add3A_391, %sub3A_385 : vector<16xf32>
        %add3A_393 = arith.constant -0.171021074 : f32
        %add3A_394 = vector.broadcast %add3A_393 : f32 to vector<16xf32>
        %add3A_395 = arith.addf %mul3A_392, %add3A_394 : vector<16xf32>
        %mul3A_396 = arith.mulf %add3A_395, %sub3A_385 : vector<16xf32>
        %add3A_397 = arith.constant 0.199182123 : f32
        %add3A_398 = vector.broadcast %add3A_397 : f32 to vector<16xf32>
        %add3A_399 = arith.addf %mul3A_396, %add3A_398 : vector<16xf32>
        %mul3A_400 = arith.mulf %add3A_399, %sub3A_385 : vector<16xf32>
        %add3A_401 = arith.constant -0.249834478 : f32
        %add3A_402 = vector.broadcast %add3A_401 : f32 to vector<16xf32>
        %add3A_403 = arith.addf %mul3A_400, %add3A_402 : vector<16xf32>
        %mul3A_404 = arith.mulf %add3A_403, %sub3A_385 : vector<16xf32>
        %add3A_405 = arith.constant 0.333343536 : f32
        %add3A_406 = vector.broadcast %add3A_405 : f32 to vector<16xf32>
        %add3A_407 = arith.addf %mul3A_404, %add3A_406 : vector<16xf32>
        %mul3A_408 = arith.mulf %add3A_407, %sub3A_385 : vector<16xf32>
        %add3A_409 = arith.constant -0.500000834 : f32
        %add3A_410 = vector.broadcast %add3A_409 : f32 to vector<16xf32>
        %add3A_411 = arith.addf %mul3A_408, %add3A_410 : vector<16xf32>
        %mul3A_412 = arith.constant 0.693147182 : f32
        %mul3A_413 = vector.broadcast %mul3A_412 : f32 to vector<16xf32>
        %mul3A_414 = arith.mulf %convert_element_type3A_378, %mul3A_413 : vector<16xf32>
        %mul3A_415 = arith.mulf %sub3A_385, %sub3A_385 : vector<16xf32>
        %mul3A_416 = arith.mulf %mul3A_415, %add3A_411 : vector<16xf32>
        %add3A_417 = arith.addf %sub3A_385, %mul3A_416 : vector<16xf32>
        %add3A_418 = arith.addf %mul3A_414, %add3A_417 : vector<16xf32>
        %neg3A_419 = arith.constant 0.000000e+00 : f32
        %neg3A_420 = vector.broadcast %neg3A_419 : f32 to vector<16xf32>
        %neg3A_421 = arith.subf %neg3A_420, %add3A_418 : vector<16xf32>
        %add3A_422 = arith.addf %get3A_54, %neg3A_421 : vector<16xf32>
        %gt3A = arith.cmpf ogt, %add3A_422, %scan3A_50 : vector<16xf32>
        %select_n3A_423 = arith.select %gt3A, %add3A_422, %scan3A_50 : vector<16xi1>, vector<16xf32>
        %select_n3A_424 = arith.select %gt3A, %add3A_59, %scan3A_51 : vector<16xi1>, vector<16xi32>
        scf.yield %select_n3A_423, %select_n3A_424 : vector<16xf32>, vector<16xi32>
      }
      %scan3A_48 = arith.constant 512 : i32
      scf.yield %scan3A_47#0, %scan3A_47#1 : vector<16xf32>, vector<16xi32>
    }
    %scan3A_31 = arith.constant 25 : i32
    %swap3A_32 = arith.constant 0 : index
    %swap3A_33 = tpu.vector_load %arg6[%swap3A_32] {strides = array<i32>} : memref<16xf32, #tpu.memory_space<vmem>>, vector<16xf32>,
    tpu.vector_store %arg6[%swap3A_32], %scan3A_30#0 {strides = array<i32>} : memref<16xf32, #tpu.memory_space<vmem>>, vector<16xf32>,
    %swap3A_34 = arith.constant 0 : index
    %swap3A_35 = tpu.vector_load %arg7[%swap3A_34] {strides = array<i32>} : memref<16xi32, #tpu.memory_space<vmem>>, vector<16xi32>,
    tpu.vector_store %arg7[%swap3A_34], %scan3A_30#1 {strides = array<i32>} : memref<16xi32, #tpu.memory_space<vmem>>, vector<16xi32>,
    "tpu.region"() ({
      %run_scoped3A = tpu.sem_alloc : memref<!tpu.dma_semaphore, #tpu.memory_space<semaphore_mem>>
      %dma_start3A = arith.constant 0 : i32
      %dma_start3A_36 = tpu.memref_slice %arg3[%add3A_19, %dma_start3A] : memref<64x16xf32, #tpu.memory_space<hbm>> -> memref<1x16xf32, #tpu.memory_space<hbm>>
      %dma_start3A_37 = tpu.memref_squeeze %dma_start3A_36 : memref<1x16xf32, #tpu.memory_space<hbm>> -> memref<16xf32, #tpu.memory_space<hbm>>
      %dma_start3A_38 = arith.constant 0 : i32
      %dma_start3A_39 = tpu.memref_slice %arg3[%add3A_19, %dma_start3A_38] : memref<64x16xf32, #tpu.memory_space<hbm>> -> memref<1x16xf32, #tpu.memory_space<hbm>>
      %dma_start3A_40 = tpu.memref_squeeze %dma_start3A_39 : memref<1x16xf32, #tpu.memory_space<hbm>> -> memref<16xf32, #tpu.memory_space<hbm>>
      tpu.enqueue_dma source(%arg6 : memref<16xf32, #tpu.memory_space<vmem>>) target(%dma_start3A_40 : memref<16xf32, #tpu.memory_space<hbm>>) target_semaphore(%run_scoped3A : memref<!tpu.dma_semaphore, #tpu.memory_space<semaphore_mem>>)
      %dma_wait3A = arith.constant 0 : i32
      %dma_wait3A_41 = tpu.memref_slice %arg3[%add3A_19, %dma_wait3A] : memref<64x16xf32, #tpu.memory_space<hbm>> -> memref<1x16xf32, #tpu.memory_space<hbm>>
      %dma_wait3A_42 = tpu.memref_squeeze %dma_wait3A_41 : memref<1x16xf32, #tpu.memory_space<hbm>> -> memref<16xf32, #tpu.memory_space<hbm>>
      %dma_wait3A_43 = arith.constant 0 : i32
      %dma_wait3A_44 = tpu.memref_slice %arg3[%add3A_19, %dma_wait3A_43] : memref<64x16xf32, #tpu.memory_space<hbm>> -> memref<1x16xf32, #tpu.memory_space<hbm>>
      %dma_wait3A_45 = tpu.memref_squeeze %dma_wait3A_44 : memref<1x16xf32, #tpu.memory_space<hbm>> -> memref<16xf32, #tpu.memory_space<hbm>>
      tpu.wait_dma2 semaphore(%run_scoped3A : memref<!tpu.dma_semaphore, #tpu.memory_space<semaphore_mem>>) src(%arg6 : memref<16xf32, #tpu.memory_space<vmem>>) dst(%dma_wait3A_45 : memref<16xf32, #tpu.memory_space<hbm>>)
      tpu.yield
    }) : () -> ()
    "tpu.region"() ({
      %run_scoped3A = tpu.sem_alloc : memref<!tpu.dma_semaphore, #tpu.memory_space<semaphore_mem>>
      %dma_start3A = arith.constant 0 : i32
      %dma_start3A_36 = tpu.memref_slice %arg4[%add3A_19, %dma_start3A] : memref<64x16xi32, #tpu.memory_space<hbm>> -> memref<1x16xi32, #tpu.memory_space<hbm>>
      %dma_start3A_37 = tpu.memref_squeeze %dma_start3A_36 : memref<1x16xi32, #tpu.memory_space<hbm>> -> memref<16xi32, #tpu.memory_space<hbm>>
      %dma_start3A_38 = arith.constant 0 : i32
      %dma_start3A_39 = tpu.memref_slice %arg4[%add3A_19, %dma_start3A_38] : memref<64x16xi32, #tpu.memory_space<hbm>> -> memref<1x16xi32, #tpu.memory_space<hbm>>
      %dma_start3A_40 = tpu.memref_squeeze %dma_start3A_39 : memref<1x16xi32, #tpu.memory_space<hbm>> -> memref<16xi32, #tpu.memory_space<hbm>>
      tpu.enqueue_dma source(%arg7 : memref<16xi32, #tpu.memory_space<vmem>>) target(%dma_start3A_40 : memref<16xi32, #tpu.memory_space<hbm>>) target_semaphore(%run_scoped3A : memref<!tpu.dma_semaphore, #tpu.memory_space<semaphore_mem>>)
      %dma_wait3A = arith.constant 0 : i32
      %dma_wait3A_41 = tpu.memref_slice %arg4[%add3A_19, %dma_wait3A] : memref<64x16xi32, #tpu.memory_space<hbm>> -> memref<1x16xi32, #tpu.memory_space<hbm>>
      %dma_wait3A_42 = tpu.memref_squeeze %dma_wait3A_41 : memref<1x16xi32, #tpu.memory_space<hbm>> -> memref<16xi32, #tpu.memory_space<hbm>>
      %dma_wait3A_43 = arith.constant 0 : i32
      %dma_wait3A_44 = tpu.memref_slice %arg4[%add3A_19, %dma_wait3A_43] : memref<64x16xi32, #tpu.memory_space<hbm>> -> memref<1x16xi32, #tpu.memory_space<hbm>>
      %dma_wait3A_45 = tpu.memref_squeeze %dma_wait3A_44 : memref<1x16xi32, #tpu.memory_space<hbm>> -> memref<16xi32, #tpu.memory_space<hbm>>
      tpu.wait_dma2 semaphore(%run_scoped3A : memref<!tpu.dma_semaphore, #tpu.memory_space<semaphore_mem>>) src(%arg7 : memref<16xi32, #tpu.memory_space<vmem>>) dst(%dma_wait3A_45 : memref<16xi32, #tpu.memory_space<hbm>>)
      tpu.yield
    }) : () -> ()
    return
  }
}

module attributes {stable_mosaic.version = 14 : i64} {
  func.func @_merge_body(%arg0: memref<64x1xf32, #tpu.memory_space<vmem>>, %arg1: memref<64x1xi32, #tpu.memory_space<vmem>>, %arg2: memref<64x16xf32, #tpu.memory_space<vmem>>, %arg3: memref<64x16xi32, #tpu.memory_space<vmem>>, %arg4: memref<64x1xi32, #tpu.memory_space<vmem>>) attributes {dimension_semantics = [], scalar_prefetch = 0 : i64, scratch_operands = 0 : i64, tpu.core_type = #tpu.core_type<tc>} {
    %get3A = arith.constant 0 : index
    %get3A_0 = arith.constant 0 : index
    %get3A_1 = vector.load %arg2[%get3A, %get3A_0] : memref<64x16xf32, #tpu.memory_space<vmem>>, vector<64x16xf32>
    %reduce_max3A = arith.constant dense<0xFF800000> : vector<64xf32>
    %reduce_max3A_2 = vector.multi_reduction <maximumf>, %get3A_1, %reduce_max3A [1] : vector<64x16xf32> to vector<64xf32>
    %broadcast_in_dim3A = vector.shape_cast %reduce_max3A_2 : vector<64xf32> to vector<64x1xf32>
    %eq3A = vector.broadcast %broadcast_in_dim3A : vector<64x1xf32> to vector<64x16xf32>
    %eq3A_3 = arith.cmpf oeq, %get3A_1, %eq3A : vector<64x16xf32>
    %get3A_4 = arith.constant 0 : index
    %get3A_5 = arith.constant 0 : index
    %get3A_6 = vector.load %arg3[%get3A_4, %get3A_5] : memref<64x16xi32, #tpu.memory_space<vmem>>, vector<64x16xi32>
    %jit3A = arith.constant 2147483647 : i32
    %broadcast_in_dim3A_7 = vector.broadcast %jit3A : i32 to vector<64x16xi32>
    %select_n3A = arith.select %eq3A_3, %get3A_6, %broadcast_in_dim3A_7 : vector<64x16xi1>, vector<64x16xi32>
    %reduce_min3A = arith.constant dense<2147483647> : vector<64xi32>
    %reduce_min3A_8 = vector.multi_reduction <minsi>, %select_n3A, %reduce_min3A [1] : vector<64x16xi32> to vector<64xi32>
    %broadcast_in_dim3A_9 = vector.shape_cast %reduce_min3A_8 : vector<64xi32> to vector<64x1xi32>
    %get3A_10 = arith.constant 0 : index
    %get3A_11 = arith.constant 0 : index
    %get3A_12 = vector.load %arg0[%get3A_10, %get3A_11] : memref<64x1xf32, #tpu.memory_space<vmem>>, vector<64x1xf32>
    %gt3A = arith.cmpf ogt, %broadcast_in_dim3A, %get3A_12 : vector<64x1xf32>
    %get3A_13 = arith.constant 0 : index
    %get3A_14 = arith.constant 0 : index
    %get3A_15 = vector.load %arg1[%get3A_13, %get3A_14] : memref<64x1xi32, #tpu.memory_space<vmem>>, vector<64x1xi32>
    %select_n3A_16 = arith.select %gt3A, %broadcast_in_dim3A_9, %get3A_15 : vector<64x1xi1>, vector<64x1xi32>
    %swap3A = arith.constant 0 : index
    %swap3A_17 = arith.constant 0 : index
    %swap3A_18 = vector.load %arg4[%swap3A, %swap3A_17] : memref<64x1xi32, #tpu.memory_space<vmem>>, vector<64x1xi32>
    tpu.vector_store %arg4[%swap3A, %swap3A_17], %select_n3A_16 {strides = array<i32>} : memref<64x1xi32, #tpu.memory_space<vmem>>, vector<64x1xi32>,
    return
  }
}

module attributes {stable_mosaic.version = 14 : i64} {
  func.func @_tc_body(%arg0: i32, %arg1: memref<64x2048xf32, #tpu.memory_space<vmem>>, %arg2: memref<64x1xf32, #tpu.memory_space<vmem>>, %arg3: memref<64x1xi32, #tpu.memory_space<vmem>>) attributes {dimension_semantics = [#tpu.dimension_semantics<arbitrary>], iteration_bounds = array<i64: 389>, scalar_prefetch = 0 : i64, scratch_operands = 0 : i64, tpu.core_type = #tpu.core_type<tc>, window_params = [{transform_indices = @transform_0, window_bounds = array<i64: 64, 2048>}, {pipeline_mode = #tpu.pipeline_mode<synchronous>, transform_indices = @transform_1, window_bounds = array<i64: 64, 1>}, {pipeline_mode = #tpu.pipeline_mode<synchronous>, transform_indices = @transform_2, window_bounds = array<i64: 64, 1>}]} {
    %lt3A = arith.constant 388 : i32
    %lt3A_0 = arith.cmpi slt, %arg0, %lt3A : i32
    %jit3A = arith.constant 488 : i32
    %select_n3A = arith.select %lt3A_0, %arg0, %jit3A : i32
    %mul3A = arith.constant 2048 : i32
    %mul3A_1 = arith.muli %select_n3A, %mul3A : i32
    %iota3A = tpu.iota {dimensions = array<i32: 1>} : vector<64x2048xi32>
    %add3A = vector.broadcast %mul3A_1 : i32 to vector<64x2048xi32>
    %add3A_2 = arith.addi %iota3A, %add3A : vector<64x2048xi32>
    %iota3A_3 = tpu.iota {dimensions = array<i32: 0>} : vector<64x2048xi32>
    %mul3A_4 = arith.constant 1000000 : i32
    %mul3A_5 = vector.broadcast %mul3A_4 : i32 to vector<64x2048xi32>
    %mul3A_6 = arith.muli %iota3A_3, %mul3A_5 : vector<64x2048xi32>
    %add3A_7 = arith.addi %mul3A_6, %add3A_2 : vector<64x2048xi32>
    %broadcast_in_dim3A = arith.constant 928981903 : i32
    %broadcast_in_dim3A_8 = vector.broadcast %broadcast_in_dim3A : i32 to vector<64x2048xi32>
    %add3A_9 = arith.constant -841280227 : i32
    %add3A_10 = vector.broadcast %add3A_9 : i32 to vector<64x2048xi32>
    %add3A_11 = arith.addi %add3A_7, %add3A_10 : vector<64x2048xi32>
    %add3A_12 = arith.addi %broadcast_in_dim3A_8, %add3A_11 : vector<64x2048xi32>
    %shift_left3A = arith.constant 13 : i32
    %shift_left3A_13 = vector.broadcast %shift_left3A : i32 to vector<64x2048xi32>
    %shift_left3A_14 = arith.shli %add3A_11, %shift_left3A_13 : vector<64x2048xi32>
    %shift_right_logical3A = arith.constant 19 : i32
    %shift_right_logical3A_15 = vector.broadcast %shift_right_logical3A : i32 to vector<64x2048xi32>
    %shift_right_logical3A_16 = arith.shrui %add3A_11, %shift_right_logical3A_15 : vector<64x2048xi32>
    %or3A = arith.ori %shift_left3A_14, %shift_right_logical3A_16 : vector<64x2048xi32>
    %xor3A = arith.xori %add3A_12, %or3A : vector<64x2048xi32>
    %add3A_17 = arith.addi %add3A_12, %xor3A : vector<64x2048xi32>
    %shift_left3A_18 = arith.constant 15 : i32
    %shift_left3A_19 = vector.broadcast %shift_left3A_18 : i32 to vector<64x2048xi32>
    %shift_left3A_20 = arith.shli %xor3A, %shift_left3A_19 : vector<64x2048xi32>
    %shift_right_logical3A_21 = arith.constant 17 : i32
    %shift_right_logical3A_22 = vector.broadcast %shift_right_logical3A_21 : i32 to vector<64x2048xi32>
    %shift_right_logical3A_23 = arith.shrui %xor3A, %shift_right_logical3A_22 : vector<64x2048xi32>
    %or3A_24 = arith.ori %shift_left3A_20, %shift_right_logical3A_23 : vector<64x2048xi32>
    %xor3A_25 = arith.xori %add3A_17, %or3A_24 : vector<64x2048xi32>
    %add3A_26 = arith.addi %add3A_17, %xor3A_25 : vector<64x2048xi32>
    %shift_left3A_27 = arith.constant 26 : i32
    %shift_left3A_28 = vector.broadcast %shift_left3A_27 : i32 to vector<64x2048xi32>
    %shift_left3A_29 = arith.shli %xor3A_25, %shift_left3A_28 : vector<64x2048xi32>
    %shift_right_logical3A_30 = arith.constant 6 : i32
    %shift_right_logical3A_31 = vector.broadcast %shift_right_logical3A_30 : i32 to vector<64x2048xi32>
    %shift_right_logical3A_32 = arith.shrui %xor3A_25, %shift_right_logical3A_31 : vector<64x2048xi32>
    %or3A_33 = arith.ori %shift_left3A_29, %shift_right_logical3A_32 : vector<64x2048xi32>
    %xor3A_34 = arith.xori %add3A_26, %or3A_33 : vector<64x2048xi32>
    %add3A_35 = arith.addi %add3A_26, %xor3A_34 : vector<64x2048xi32>
    %shift_left3A_36 = arith.constant 6 : i32
    %shift_left3A_37 = vector.broadcast %shift_left3A_36 : i32 to vector<64x2048xi32>
    %shift_left3A_38 = arith.shli %xor3A_34, %shift_left3A_37 : vector<64x2048xi32>
    %shift_right_logical3A_39 = arith.constant 26 : i32
    %shift_right_logical3A_40 = vector.broadcast %shift_right_logical3A_39 : i32 to vector<64x2048xi32>
    %shift_right_logical3A_41 = arith.shrui %xor3A_34, %shift_right_logical3A_40 : vector<64x2048xi32>
    %or3A_42 = arith.ori %shift_left3A_38, %shift_right_logical3A_41 : vector<64x2048xi32>
    %xor3A_43 = arith.xori %add3A_35, %or3A_42 : vector<64x2048xi32>
    %add3A_44 = arith.constant -841280227 : i32
    %add3A_45 = vector.broadcast %add3A_44 : i32 to vector<64x2048xi32>
    %add3A_46 = arith.addi %add3A_35, %add3A_45 : vector<64x2048xi32>
    %add3A_47 = arith.constant -514511544 : i32
    %add3A_48 = vector.broadcast %add3A_47 : i32 to vector<64x2048xi32>
    %add3A_49 = arith.addi %xor3A_43, %add3A_48 : vector<64x2048xi32>
    %add3A_50 = arith.constant 1 : i32
    %add3A_51 = vector.broadcast %add3A_50 : i32 to vector<64x2048xi32>
    %add3A_52 = arith.addi %add3A_49, %add3A_51 : vector<64x2048xi32>
    %add3A_53 = arith.addi %add3A_46, %add3A_52 : vector<64x2048xi32>
    %shift_left3A_54 = arith.constant 17 : i32
    %shift_left3A_55 = vector.broadcast %shift_left3A_54 : i32 to vector<64x2048xi32>
    %shift_left3A_56 = arith.shli %add3A_52, %shift_left3A_55 : vector<64x2048xi32>
    %shift_right_logical3A_57 = arith.constant 15 : i32
    %shift_right_logical3A_58 = vector.broadcast %shift_right_logical3A_57 : i32 to vector<64x2048xi32>
    %shift_right_logical3A_59 = arith.shrui %add3A_52, %shift_right_logical3A_58 : vector<64x2048xi32>
    %or3A_60 = arith.ori %shift_left3A_56, %shift_right_logical3A_59 : vector<64x2048xi32>
    %xor3A_61 = arith.xori %add3A_53, %or3A_60 : vector<64x2048xi32>
    %add3A_62 = arith.addi %add3A_53, %xor3A_61 : vector<64x2048xi32>
    %shift_left3A_63 = arith.constant 29 : i32
    %shift_left3A_64 = vector.broadcast %shift_left3A_63 : i32 to vector<64x2048xi32>
    %shift_left3A_65 = arith.shli %xor3A_61, %shift_left3A_64 : vector<64x2048xi32>
    %shift_right_logical3A_66 = arith.constant 3 : i32
    %shift_right_logical3A_67 = vector.broadcast %shift_right_logical3A_66 : i32 to vector<64x2048xi32>
    %shift_right_logical3A_68 = arith.shrui %xor3A_61, %shift_right_logical3A_67 : vector<64x2048xi32>
    %or3A_69 = arith.ori %shift_left3A_65, %shift_right_logical3A_68 : vector<64x2048xi32>
    %xor3A_70 = arith.xori %add3A_62, %or3A_69 : vector<64x2048xi32>
    %add3A_71 = arith.addi %add3A_62, %xor3A_70 : vector<64x2048xi32>
    %shift_left3A_72 = arith.constant 16 : i32
    %shift_left3A_73 = vector.broadcast %shift_left3A_72 : i32 to vector<64x2048xi32>
    %shift_left3A_74 = arith.shli %xor3A_70, %shift_left3A_73 : vector<64x2048xi32>
    %shift_right_logical3A_75 = arith.constant 16 : i32
    %shift_right_logical3A_76 = vector.broadcast %shift_right_logical3A_75 : i32 to vector<64x2048xi32>
    %shift_right_logical3A_77 = arith.shrui %xor3A_70, %shift_right_logical3A_76 : vector<64x2048xi32>
    %or3A_78 = arith.ori %shift_left3A_74, %shift_right_logical3A_77 : vector<64x2048xi32>
    %xor3A_79 = arith.xori %add3A_71, %or3A_78 : vector<64x2048xi32>
    %add3A_80 = arith.addi %add3A_71, %xor3A_79 : vector<64x2048xi32>
    %shift_left3A_81 = arith.constant 24 : i32
    %shift_left3A_82 = vector.broadcast %shift_left3A_81 : i32 to vector<64x2048xi32>
    %shift_left3A_83 = arith.shli %xor3A_79, %shift_left3A_82 : vector<64x2048xi32>
    %shift_right_logical3A_84 = arith.constant 8 : i32
    %shift_right_logical3A_85 = vector.broadcast %shift_right_logical3A_84 : i32 to vector<64x2048xi32>
    %shift_right_logical3A_86 = arith.shrui %xor3A_79, %shift_right_logical3A_85 : vector<64x2048xi32>
    %or3A_87 = arith.ori %shift_left3A_83, %shift_right_logical3A_86 : vector<64x2048xi32>
    %xor3A_88 = arith.xori %add3A_80, %or3A_87 : vector<64x2048xi32>
    %add3A_89 = arith.constant -514511544 : i32
    %add3A_90 = vector.broadcast %add3A_89 : i32 to vector<64x2048xi32>
    %add3A_91 = arith.addi %add3A_80, %add3A_90 : vector<64x2048xi32>
    %add3A_92 = arith.constant 928981903 : i32
    %add3A_93 = vector.broadcast %add3A_92 : i32 to vector<64x2048xi32>
    %add3A_94 = arith.addi %xor3A_88, %add3A_93 : vector<64x2048xi32>
    %add3A_95 = arith.constant 2 : i32
    %add3A_96 = vector.broadcast %add3A_95 : i32 to vector<64x2048xi32>
    %add3A_97 = arith.addi %add3A_94, %add3A_96 : vector<64x2048xi32>
    %add3A_98 = arith.addi %add3A_91, %add3A_97 : vector<64x2048xi32>
    %shift_left3A_99 = arith.constant 13 : i32
    %shift_left3A_100 = vector.broadcast %shift_left3A_99 : i32 to vector<64x2048xi32>
    %shift_left3A_101 = arith.shli %add3A_97, %shift_left3A_100 : vector<64x2048xi32>
    %shift_right_logical3A_102 = arith.constant 19 : i32
    %shift_right_logical3A_103 = vector.broadcast %shift_right_logical3A_102 : i32 to vector<64x2048xi32>
    %shift_right_logical3A_104 = arith.shrui %add3A_97, %shift_right_logical3A_103 : vector<64x2048xi32>
    %or3A_105 = arith.ori %shift_left3A_101, %shift_right_logical3A_104 : vector<64x2048xi32>
    %xor3A_106 = arith.xori %add3A_98, %or3A_105 : vector<64x2048xi32>
    %add3A_107 = arith.addi %add3A_98, %xor3A_106 : vector<64x2048xi32>
    %shift_left3A_108 = arith.constant 15 : i32
    %shift_left3A_109 = vector.broadcast %shift_left3A_108 : i32 to vector<64x2048xi32>
    %shift_left3A_110 = arith.shli %xor3A_106, %shift_left3A_109 : vector<64x2048xi32>
    %shift_right_logical3A_111 = arith.constant 17 : i32
    %shift_right_logical3A_112 = vector.broadcast %shift_right_logical3A_111 : i32 to vector<64x2048xi32>
    %shift_right_logical3A_113 = arith.shrui %xor3A_106, %shift_right_logical3A_112 : vector<64x2048xi32>
    %or3A_114 = arith.ori %shift_left3A_110, %shift_right_logical3A_113 : vector<64x2048xi32>
    %xor3A_115 = arith.xori %add3A_107, %or3A_114 : vector<64x2048xi32>
    %add3A_116 = arith.addi %add3A_107, %xor3A_115 : vector<64x2048xi32>
    %shift_left3A_117 = arith.constant 26 : i32
    %shift_left3A_118 = vector.broadcast %shift_left3A_117 : i32 to vector<64x2048xi32>
    %shift_left3A_119 = arith.shli %xor3A_115, %shift_left3A_118 : vector<64x2048xi32>
    %shift_right_logical3A_120 = arith.constant 6 : i32
    %shift_right_logical3A_121 = vector.broadcast %shift_right_logical3A_120 : i32 to vector<64x2048xi32>
    %shift_right_logical3A_122 = arith.shrui %xor3A_115, %shift_right_logical3A_121 : vector<64x2048xi32>
    %or3A_123 = arith.ori %shift_left3A_119, %shift_right_logical3A_122 : vector<64x2048xi32>
    %xor3A_124 = arith.xori %add3A_116, %or3A_123 : vector<64x2048xi32>
    %add3A_125 = arith.addi %add3A_116, %xor3A_124 : vector<64x2048xi32>
    %shift_left3A_126 = arith.constant 6 : i32
    %shift_left3A_127 = vector.broadcast %shift_left3A_126 : i32 to vector<64x2048xi32>
    %shift_left3A_128 = arith.shli %xor3A_124, %shift_left3A_127 : vector<64x2048xi32>
    %shift_right_logical3A_129 = arith.constant 26 : i32
    %shift_right_logical3A_130 = vector.broadcast %shift_right_logical3A_129 : i32 to vector<64x2048xi32>
    %shift_right_logical3A_131 = arith.shrui %xor3A_124, %shift_right_logical3A_130 : vector<64x2048xi32>
    %or3A_132 = arith.ori %shift_left3A_128, %shift_right_logical3A_131 : vector<64x2048xi32>
    %xor3A_133 = arith.xori %add3A_125, %or3A_132 : vector<64x2048xi32>
    %add3A_134 = arith.constant 928981903 : i32
    %add3A_135 = vector.broadcast %add3A_134 : i32 to vector<64x2048xi32>
    %add3A_136 = arith.addi %add3A_125, %add3A_135 : vector<64x2048xi32>
    %add3A_137 = arith.constant -841280227 : i32
    %add3A_138 = vector.broadcast %add3A_137 : i32 to vector<64x2048xi32>
    %add3A_139 = arith.addi %xor3A_133, %add3A_138 : vector<64x2048xi32>
    %add3A_140 = arith.constant 3 : i32
    %add3A_141 = vector.broadcast %add3A_140 : i32 to vector<64x2048xi32>
    %add3A_142 = arith.addi %add3A_139, %add3A_141 : vector<64x2048xi32>
    %add3A_143 = arith.addi %add3A_136, %add3A_142 : vector<64x2048xi32>
    %shift_left3A_144 = arith.constant 17 : i32
    %shift_left3A_145 = vector.broadcast %shift_left3A_144 : i32 to vector<64x2048xi32>
    %shift_left3A_146 = arith.shli %add3A_142, %shift_left3A_145 : vector<64x2048xi32>
    %shift_right_logical3A_147 = arith.constant 15 : i32
    %shift_right_logical3A_148 = vector.broadcast %shift_right_logical3A_147 : i32 to vector<64x2048xi32>
    %shift_right_logical3A_149 = arith.shrui %add3A_142, %shift_right_logical3A_148 : vector<64x2048xi32>
    %or3A_150 = arith.ori %shift_left3A_146, %shift_right_logical3A_149 : vector<64x2048xi32>
    %xor3A_151 = arith.xori %add3A_143, %or3A_150 : vector<64x2048xi32>
    %add3A_152 = arith.addi %add3A_143, %xor3A_151 : vector<64x2048xi32>
    %shift_left3A_153 = arith.constant 29 : i32
    %shift_left3A_154 = vector.broadcast %shift_left3A_153 : i32 to vector<64x2048xi32>
    %shift_left3A_155 = arith.shli %xor3A_151, %shift_left3A_154 : vector<64x2048xi32>
    %shift_right_logical3A_156 = arith.constant 3 : i32
    %shift_right_logical3A_157 = vector.broadcast %shift_right_logical3A_156 : i32 to vector<64x2048xi32>
    %shift_right_logical3A_158 = arith.shrui %xor3A_151, %shift_right_logical3A_157 : vector<64x2048xi32>
    %or3A_159 = arith.ori %shift_left3A_155, %shift_right_logical3A_158 : vector<64x2048xi32>
    %xor3A_160 = arith.xori %add3A_152, %or3A_159 : vector<64x2048xi32>
    %add3A_161 = arith.addi %add3A_152, %xor3A_160 : vector<64x2048xi32>
    %shift_left3A_162 = arith.constant 16 : i32
    %shift_left3A_163 = vector.broadcast %shift_left3A_162 : i32 to vector<64x2048xi32>
    %shift_left3A_164 = arith.shli %xor3A_160, %shift_left3A_163 : vector<64x2048xi32>
    %shift_right_logical3A_165 = arith.constant 16 : i32
    %shift_right_logical3A_166 = vector.broadcast %shift_right_logical3A_165 : i32 to vector<64x2048xi32>
    %shift_right_logical3A_167 = arith.shrui %xor3A_160, %shift_right_logical3A_166 : vector<64x2048xi32>
    %or3A_168 = arith.ori %shift_left3A_164, %shift_right_logical3A_167 : vector<64x2048xi32>
    %xor3A_169 = arith.xori %add3A_161, %or3A_168 : vector<64x2048xi32>
    %add3A_170 = arith.addi %add3A_161, %xor3A_169 : vector<64x2048xi32>
    %shift_left3A_171 = arith.constant 24 : i32
    %shift_left3A_172 = vector.broadcast %shift_left3A_171 : i32 to vector<64x2048xi32>
    %shift_left3A_173 = arith.shli %xor3A_169, %shift_left3A_172 : vector<64x2048xi32>
    %shift_right_logical3A_174 = arith.constant 8 : i32
    %shift_right_logical3A_175 = vector.broadcast %shift_right_logical3A_174 : i32 to vector<64x2048xi32>
    %shift_right_logical3A_176 = arith.shrui %xor3A_169, %shift_right_logical3A_175 : vector<64x2048xi32>
    %or3A_177 = arith.ori %shift_left3A_173, %shift_right_logical3A_176 : vector<64x2048xi32>
    %xor3A_178 = arith.xori %add3A_170, %or3A_177 : vector<64x2048xi32>
    %add3A_179 = arith.constant -841280227 : i32
    %add3A_180 = vector.broadcast %add3A_179 : i32 to vector<64x2048xi32>
    %add3A_181 = arith.addi %add3A_170, %add3A_180 : vector<64x2048xi32>
    %add3A_182 = arith.constant -514511544 : i32
    %add3A_183 = vector.broadcast %add3A_182 : i32 to vector<64x2048xi32>
    %add3A_184 = arith.addi %xor3A_178, %add3A_183 : vector<64x2048xi32>
    %add3A_185 = arith.constant 4 : i32
    %add3A_186 = vector.broadcast %add3A_185 : i32 to vector<64x2048xi32>
    %add3A_187 = arith.addi %add3A_184, %add3A_186 : vector<64x2048xi32>
    %add3A_188 = arith.addi %add3A_181, %add3A_187 : vector<64x2048xi32>
    %shift_left3A_189 = arith.constant 13 : i32
    %shift_left3A_190 = vector.broadcast %shift_left3A_189 : i32 to vector<64x2048xi32>
    %shift_left3A_191 = arith.shli %add3A_187, %shift_left3A_190 : vector<64x2048xi32>
    %shift_right_logical3A_192 = arith.constant 19 : i32
    %shift_right_logical3A_193 = vector.broadcast %shift_right_logical3A_192 : i32 to vector<64x2048xi32>
    %shift_right_logical3A_194 = arith.shrui %add3A_187, %shift_right_logical3A_193 : vector<64x2048xi32>
    %or3A_195 = arith.ori %shift_left3A_191, %shift_right_logical3A_194 : vector<64x2048xi32>
    %xor3A_196 = arith.xori %add3A_188, %or3A_195 : vector<64x2048xi32>
    %add3A_197 = arith.addi %add3A_188, %xor3A_196 : vector<64x2048xi32>
    %shift_left3A_198 = arith.constant 15 : i32
    %shift_left3A_199 = vector.broadcast %shift_left3A_198 : i32 to vector<64x2048xi32>
    %shift_left3A_200 = arith.shli %xor3A_196, %shift_left3A_199 : vector<64x2048xi32>
    %shift_right_logical3A_201 = arith.constant 17 : i32
    %shift_right_logical3A_202 = vector.broadcast %shift_right_logical3A_201 : i32 to vector<64x2048xi32>
    %shift_right_logical3A_203 = arith.shrui %xor3A_196, %shift_right_logical3A_202 : vector<64x2048xi32>
    %or3A_204 = arith.ori %shift_left3A_200, %shift_right_logical3A_203 : vector<64x2048xi32>
    %xor3A_205 = arith.xori %add3A_197, %or3A_204 : vector<64x2048xi32>
    %add3A_206 = arith.addi %add3A_197, %xor3A_205 : vector<64x2048xi32>
    %shift_left3A_207 = arith.constant 26 : i32
    %shift_left3A_208 = vector.broadcast %shift_left3A_207 : i32 to vector<64x2048xi32>
    %shift_left3A_209 = arith.shli %xor3A_205, %shift_left3A_208 : vector<64x2048xi32>
    %shift_right_logical3A_210 = arith.constant 6 : i32
    %shift_right_logical3A_211 = vector.broadcast %shift_right_logical3A_210 : i32 to vector<64x2048xi32>
    %shift_right_logical3A_212 = arith.shrui %xor3A_205, %shift_right_logical3A_211 : vector<64x2048xi32>
    %or3A_213 = arith.ori %shift_left3A_209, %shift_right_logical3A_212 : vector<64x2048xi32>
    %xor3A_214 = arith.xori %add3A_206, %or3A_213 : vector<64x2048xi32>
    %add3A_215 = arith.addi %add3A_206, %xor3A_214 : vector<64x2048xi32>
    %shift_left3A_216 = arith.constant 6 : i32
    %shift_left3A_217 = vector.broadcast %shift_left3A_216 : i32 to vector<64x2048xi32>
    %shift_left3A_218 = arith.shli %xor3A_214, %shift_left3A_217 : vector<64x2048xi32>
    %shift_right_logical3A_219 = arith.constant 26 : i32
    %shift_right_logical3A_220 = vector.broadcast %shift_right_logical3A_219 : i32 to vector<64x2048xi32>
    %shift_right_logical3A_221 = arith.shrui %xor3A_214, %shift_right_logical3A_220 : vector<64x2048xi32>
    %or3A_222 = arith.ori %shift_left3A_218, %shift_right_logical3A_221 : vector<64x2048xi32>
    %xor3A_223 = arith.xori %add3A_215, %or3A_222 : vector<64x2048xi32>
    %add3A_224 = arith.constant -514511544 : i32
    %add3A_225 = vector.broadcast %add3A_224 : i32 to vector<64x2048xi32>
    %add3A_226 = arith.addi %add3A_215, %add3A_225 : vector<64x2048xi32>
    %add3A_227 = arith.constant 928981903 : i32
    %add3A_228 = vector.broadcast %add3A_227 : i32 to vector<64x2048xi32>
    %add3A_229 = arith.addi %xor3A_223, %add3A_228 : vector<64x2048xi32>
    %add3A_230 = arith.constant 5 : i32
    %add3A_231 = vector.broadcast %add3A_230 : i32 to vector<64x2048xi32>
    %add3A_232 = arith.addi %add3A_229, %add3A_231 : vector<64x2048xi32>
    %xor3A_233 = arith.xori %add3A_226, %add3A_232 : vector<64x2048xi32>
    %shift_right_logical3A_234 = arith.constant 9 : i32
    %shift_right_logical3A_235 = vector.broadcast %shift_right_logical3A_234 : i32 to vector<64x2048xi32>
    %shift_right_logical3A_236 = arith.shrui %xor3A_233, %shift_right_logical3A_235 : vector<64x2048xi32>
    %or3A_237 = arith.constant 1065353216 : i32
    %or3A_238 = vector.broadcast %or3A_237 : i32 to vector<64x2048xi32>
    %or3A_239 = arith.ori %shift_right_logical3A_236, %or3A_238 : vector<64x2048xi32>
    %bitcast_convert_type3A = tpu.bitcast %or3A_239 : vector<64x2048xi32> -> vector<64x2048xf32>
    %sub3A = arith.constant 1.000000e+00 : f32
    %sub3A_240 = vector.broadcast %sub3A : f32 to vector<64x2048xf32>
    %sub3A_241 = arith.subf %bitcast_convert_type3A, %sub3A_240 : vector<64x2048xf32>
    %get3A = arith.constant 0 : index
    %get3A_242 = arith.constant 0 : index
    %get3A_243 = vector.load %arg1[%get3A, %get3A_242] : memref<64x2048xf32, #tpu.memory_space<vmem>>, vector<64x2048xf32>
    %log3A = math.log %sub3A_241 : vector<64x2048xf32>
    %neg3A = arith.constant 0.000000e+00 : f32
    %neg3A_244 = vector.broadcast %neg3A : f32 to vector<64x2048xf32>
    %neg3A_245 = arith.subf %neg3A_244, %log3A : vector<64x2048xf32>
    %log3A_246 = math.log %neg3A_245 : vector<64x2048xf32>
    %neg3A_247 = arith.constant 0.000000e+00 : f32
    %neg3A_248 = vector.broadcast %neg3A_247 : f32 to vector<64x2048xf32>
    %neg3A_249 = arith.subf %neg3A_248, %log3A_246 : vector<64x2048xf32>
    %add3A_250 = arith.addf %get3A_243, %neg3A_249 : vector<64x2048xf32>
    %lt3A_251 = arith.constant 1000000 : i32
    %lt3A_252 = vector.broadcast %lt3A_251 : i32 to vector<64x2048xi32>
    %lt3A_253 = arith.cmpi slt, %add3A_2, %lt3A_252 : vector<64x2048xi32>
    %jit3A_254 = arith.constant 0xFF800000 : f32
    %broadcast_in_dim3A_255 = vector.broadcast %jit3A_254 : f32 to vector<64x2048xf32>
    %select_n3A_256 = arith.select %lt3A_253, %add3A_250, %broadcast_in_dim3A_255 : vector<64x2048xi1>, vector<64x2048xf32>
    %reduce_max3A = arith.constant dense<0xFF800000> : vector<64xf32>
    %reduce_max3A_257 = vector.multi_reduction <maximumf>, %select_n3A_256, %reduce_max3A [1] : vector<64x2048xf32> to vector<64xf32>
    %broadcast_in_dim3A_258 = vector.shape_cast %reduce_max3A_257 : vector<64xf32> to vector<64x1xf32>
    %eq3A = vector.broadcast %broadcast_in_dim3A_258 : vector<64x1xf32> to vector<64x2048xf32>
    %eq3A_259 = arith.cmpf oeq, %select_n3A_256, %eq3A : vector<64x2048xf32>
    %jit3A_260 = arith.constant 2147483647 : i32
    %broadcast_in_dim3A_261 = vector.broadcast %jit3A_260 : i32 to vector<64x2048xi32>
    %select_n3A_262 = arith.select %eq3A_259, %add3A_2, %broadcast_in_dim3A_261 : vector<64x2048xi1>, vector<64x2048xi32>
    %reduce_min3A = arith.constant dense<2147483647> : vector<64xi32>
    %reduce_min3A_263 = vector.multi_reduction <minsi>, %select_n3A_262, %reduce_min3A [1] : vector<64x2048xi32> to vector<64xi32>
    %broadcast_in_dim3A_264 = vector.shape_cast %reduce_min3A_263 : vector<64xi32> to vector<64x1xi32>
    %eq3A_265 = arith.constant 0 : i32
    %eq3A_266 = arith.cmpi eq, %arg0, %eq3A_265 : i32
    %convert_element_type3A = arith.extui %eq3A_266 : i1 to i32
    %cond3A = arith.constant 0 : i32
    %cond3A_267 = arith.cmpi ne, %convert_element_type3A, %cond3A : i32
    scf.if %cond3A_267 {
      %swap3A = arith.constant 0 : index
      %swap3A_272 = arith.constant 0 : index
      %swap3A_273 = vector.load %arg2[%swap3A, %swap3A_272] : memref<64x1xf32, #tpu.memory_space<vmem>>, vector<64x1xf32>
      tpu.vector_store %arg2[%swap3A, %swap3A_272], %broadcast_in_dim3A_258 {strides = array<i32>} : memref<64x1xf32, #tpu.memory_space<vmem>>, vector<64x1xf32>,
      %swap3A_274 = arith.constant 0 : index
      %swap3A_275 = arith.constant 0 : index
      %swap3A_276 = vector.load %arg3[%swap3A_274, %swap3A_275] : memref<64x1xi32, #tpu.memory_space<vmem>>, vector<64x1xi32>
      tpu.vector_store %arg3[%swap3A_274, %swap3A_275], %broadcast_in_dim3A_264 {strides = array<i32>} : memref<64x1xi32, #tpu.memory_space<vmem>>, vector<64x1xi32>,
    } else {
    }
    %gt3A = arith.constant 0 : i32
    %gt3A_268 = arith.cmpi sgt, %arg0, %gt3A : i32
    %convert_element_type3A_269 = arith.extui %gt3A_268 : i1 to i32
    %cond3A_270 = arith.constant 0 : i32
    %cond3A_271 = arith.cmpi ne, %convert_element_type3A_269, %cond3A_270 : i32
    scf.if %cond3A_271 {
      %get3A_272 = arith.constant 0 : index
      %get3A_273 = arith.constant 0 : index
      %get3A_274 = vector.load %arg2[%get3A_272, %get3A_273] : memref<64x1xf32, #tpu.memory_space<vmem>>, vector<64x1xf32>
      %gt3A_275 = arith.cmpf ogt, %broadcast_in_dim3A_258, %get3A_274 : vector<64x1xf32>
      %get3A_276 = arith.constant 0 : index
      %get3A_277 = arith.constant 0 : index
      %get3A_278 = vector.load %arg2[%get3A_276, %get3A_277] : memref<64x1xf32, #tpu.memory_space<vmem>>, vector<64x1xf32>
      %select_n3A_279 = arith.select %gt3A_275, %broadcast_in_dim3A_258, %get3A_278 : vector<64x1xi1>, vector<64x1xf32>
      %swap3A = arith.constant 0 : index
      %swap3A_280 = arith.constant 0 : index
      %swap3A_281 = vector.load %arg2[%swap3A, %swap3A_280] : memref<64x1xf32, #tpu.memory_space<vmem>>, vector<64x1xf32>
      tpu.vector_store %arg2[%swap3A, %swap3A_280], %select_n3A_279 {strides = array<i32>} : memref<64x1xf32, #tpu.memory_space<vmem>>, vector<64x1xf32>,
      %get3A_282 = arith.constant 0 : index
      %get3A_283 = arith.constant 0 : index
      %get3A_284 = vector.load %arg3[%get3A_282, %get3A_283] : memref<64x1xi32, #tpu.memory_space<vmem>>, vector<64x1xi32>
      %select_n3A_285 = arith.select %gt3A_275, %broadcast_in_dim3A_264, %get3A_284 : vector<64x1xi1>, vector<64x1xi32>
      %swap3A_286 = arith.constant 0 : index
      %swap3A_287 = arith.constant 0 : index
      %swap3A_288 = vector.load %arg3[%swap3A_286, %swap3A_287] : memref<64x1xi32, #tpu.memory_space<vmem>>, vector<64x1xi32>
      tpu.vector_store %arg3[%swap3A_286, %swap3A_287], %select_n3A_285 {strides = array<i32>} : memref<64x1xi32, #tpu.memory_space<vmem>>, vector<64x1xi32>,
    } else {
    }
    return
  }
  func.func @transform_0(%arg0: i32) -> (i32, i32) {
    %lt3A = arith.constant 388 : i32
    %lt3A_0 = arith.cmpi slt, %arg0, %lt3A : i32
    %jit3A = arith.constant 488 : i32
    %select_n3A = arith.select %lt3A_0, %arg0, %jit3A : i32
    %c0_i32 = arith.constant 0 : i32
    %c0_i32_1 = arith.constant 0 : i32
    return %c0_i32, %select_n3A : i32, i32
  }
  func.func @transform_1(%arg0: i32) -> (i32, i32) {
    %c0_i32 = arith.constant 0 : i32
    %c0_i32_0 = arith.constant 0 : i32
    %c0_i32_1 = arith.constant 0 : i32
    return %c0_i32, %c0_i32_0 : i32, i32
  }
  func.func @transform_2(%arg0: i32) -> (i32, i32) {
    %c0_i32 = arith.constant 0 : i32
    %c0_i32_0 = arith.constant 0 : i32
    %c0_i32_1 = arith.constant 0 : i32
    return %c0_i32, %c0_i32_0 : i32, i32
  }
}

</mosaic_0001>

<sc_bundles>
// kernel: kernel.5.cloned.1.call-start
scs
__scs_entry_jumppad:
0x0: {  	(pc) =	sbr.rel $0x88, $3  }
0x1: {  	(tag) =	ssettag $0x0;
	lr =	simm.s32 $0x1  }
0x2: {  	[smem:$0x3FA0] =	sst lr;
	_ =	strace $0xD0000000  }
0x3: {  	_ = 	snop  }
0x4: {  	_ = 	snop  }
0x5: {  	_ = 	snop  }
0x6: {  	_ = 	snop  }
0x7: {  	_ = 	snop  }
__scs_overlays_trampoline_lowered:
0x8: {  	[smem:$0x3FAF] =	sst s0  }
0x9: {  	[smem:$0x3FB0] =	sst s1  }
0xa: {  	[smem:$0x3FB1] =	sst s2  }
0xb: {  	[smem:$0x3FB2] =	sst s3  }
0xc: {  	[smem:$0x3FB3] =	sst s4  }
0xd: {  	[smem:$0x3FB4] =	sst s5  }
0xe: {  	[smem:$0x3FB5] =	sst s6  }
0xf: {  	[smem:$0x3FB6] =	sst s7  }
0x10: {  	[smem:$0x3FB7] =	sst s8  }
0x11: {  	[smem:$0x3FB8] =	sst s9;
	s0 =	simm.s32 @!p0 $0x0  }
0x12: {  	s1 =	sld [smem:$0x3F9E];
	s0 =	simm.s32 @p0 $0x1  }
0x13: {  	[smem:$0x3FB9] =	sst s0;
	s0 =	simm.s32 @!p1 $0x0  }
0x14: {  	s2 =	sld [smem:$0x3F9D];
	s0 =	simm.s32 @p1 $0x1  }
0x15: {  	[smem:$0x3FBA] =	sst s0;
	s0 =	simm.s32 @!p2 $0x0  }
0x16: {  	s3 =	sld [smem:$0x3FDB];
	s0 =	simm.s32 @p2 $0x1  }
0x17: {  	s4 =	simm.s32 $0x1BF5;
	[smem:$0x3FBC] =	sst s0  }
0x18: {  	s0 =	sld [smem:$0x3F9F];
	_ =	swait.ge [sflag:s4], $0x0  }
0x19: {  	s7 =	sld [smem:$0x3FA0]  }
0x1a: {  	s8 =	sadd.s32 $0xFFFFE003, lr  }
0x1b: {  	s9 =	sadd.s32 $0xFFFFFEF7, lr;
	s5 =	simm.s32 $0xFFFFFFFF;
	p2 =	slt.u32 s8, $0xFFFFF086  }
0x1c: {  	p1 =	slt.u32 s9, $0xF7A;
	s5 =	simm.s32 @!p2 $0x0  }
0x1d: {  	s5 =	simm.s32 @p1 $0x1;
	p0 =	seq.s32 s7, s2  }
0x1e: {  	s7 =	smul.u32 @!p0 $0xF7A, s2;
	p2 =	seq.s32 @!p0 s5, $0x0  }
0x1f: {  	s9 =	smul.u32 $0xF7A, s1;
	s8 =	simm.s32 @!p0 $0x1BF5;
	p2 =	por !p2, p0  }
0x20: {  	[sflag:s8] =	ssyncset.s32 @!p0 $0xFFFFF086;
	s6 =	sadd.s32 @!p0 s3, s7;
	s7 =	simm.s32 @!p0 $0x108  }
0x21: {  	s3 =	sadd.s32 s3, s9;
	s6 =	sadd.s32 @!p0 $0x88, s6;
	s7 =	simm.s32 @p2 $0x1082  }
0x22: {  	[simem:s7], [sflag:s8] =	dma.local @!p0 [hbm:s6], $0xF7A  }
0x23: {  	s9 =	sor.u32 $0xD0000000, s2;
	s6 =	simm.s32 $0x108;
	_ =	swait.ge @!p0 [sflag:s8], $0x0  }
0x24: {  	s3 =	sadd.s32 $0x88, s3;
	s6 =	simm.s32 @!p1 $0x1082;
	[sflag:s4] =	ssyncset.s32 $0xFFFFF086  }
0x25: {  	[simem:s6], [sflag:s4] =	dma.local [hbm:s3], $0xF7A  }
0x26: {  	[smem:$0x3FA0] =	sst s1;
	(tag) =	ssettag s2;
	_ =	strace s9  }
0x27: {  	s1 =	sld [smem:$0x3FB0]  }
0x28: {  	s2 =	sld [smem:$0x3FB1]  }
0x29: {  	s4 =	sld [smem:$0x3FB3]  }
0x2a: {  	p0 =	seq.s32 s5, $0x0;
	s5 =	sld [smem:$0x3FB4]  }
0x2b: {  	s6 =	sld [smem:$0x3FB5]  }
0x2c: {  	s7 =	sld [smem:$0x3FB6]  }
0x2d: {  	s3 =	simm.s32 $0x108;
	s8 =	sld [smem:$0x3FB7]  }
0x2e: {  	s3 =	simm.s32 @!p0 $0x1082;
	s9 =	sld [smem:$0x3FB8]  }
0x2f: {  	lr =	sadd.s32 s0, s3;
	s0 =	sld [smem:$0x3FAF]  }
0x30: {  	s3 =	sld [smem:$0x3FB2]  }
0x31: {  	[smem:$0x3FBB] =	sst s10  }
0x32: {  	s10 =	sld [smem:$0x3FB9];
	_ =	sdelay $0x3  }
0x33: {  	p0 =	seq.s32 s10, $0x1;
	s10 =	sld [smem:$0x3FBB];
	_ =	sdelay $0x3  }
0x34: {  	[smem:$0x3FBB] =	sst s10  }
0x35: {  	s10 =	sld [smem:$0x3FBA];
	_ =	sdelay $0x3  }
0x36: {  	p1 =	seq.s32 s10, $0x1;
	s10 =	sld [smem:$0x3FBB];
	_ =	sdelay $0x3  }
0x37: {  	[smem:$0x3FBB] =	sst s10  }
0x38: {  	s10 =	sld [smem:$0x3FBC]  }
0x39: {  	_ = 	snop;
	(pc) =	sbr.ind lr, $3  }
0x3a: {  	_ = 	snop  }
0x3b: {  	_ = 	snop  }
0x3c: {  	p2 =	seq.s32 s10, $0x1;
	s10 =	sld [smem:$0x3FBB]  }
0x3d: {  	_ =	shalt  }
0x3e: {  	_ =	shalt  }
0x3f: {  	_ =	shalt  }
0x40: {  	_ =	shalt  }
0x41: {  	_ =	shalt  }
0x42: {  	_ =	shalt  }
0x43: {  	_ =	shalt  }
0x44: {  	_ =	shalt  }
0x45: {  	_ =	shalt  }
0x46: {  	_ =	shalt  }
0x47: {  	_ =	shalt  }
0x48: {  	_ =	shalt  }
0x49: {  	_ =	shalt  }
0x4a: {  	_ =	shalt  }
0x4b: {  	_ =	shalt  }
0x4c: {  	_ =	shalt  }
0x4d: {  	_ =	shalt  }
0x4e: {  	_ =	shalt  }
0x4f: {  	_ =	shalt  }
0x50: {  	_ =	shalt  }
0x51: {  	_ =	shalt  }
0x52: {  	_ =	shalt  }
0x53: {  	_ =	shalt  }
0x54: {  	_ =	shalt  }
0x55: {  	_ =	shalt  }
0x56: {  	_ =	shalt  }
0x57: {  	_ =	shalt  }
0x58: {  	_ =	shalt  }
0x59: {  	_ =	shalt  }
0x5a: {  	_ =	shalt  }
0x5b: {  	_ =	shalt  }
0x5c: {  	_ =	shalt  }
0x5d: {  	_ =	shalt  }
0x5e: {  	_ =	shalt  }
0x5f: {  	_ =	shalt  }
0x60: {  	_ =	shalt  }
0x61: {  	_ =	shalt  }
0x62: {  	_ =	shalt  }
0x63: {  	_ =	shalt  }
0x64: {  	_ =	shalt  }
0x65: {  	_ =	shalt  }
0x66: {  	_ =	shalt  }
0x67: {  	_ =	shalt  }
0x68: {  	_ =	shalt  }
0x69: {  	_ =	shalt  }
0x6a: {  	_ =	shalt  }
0x6b: {  	_ =	shalt  }
0x6c: {  	_ =	shalt  }
0x6d: {  	_ =	shalt  }
0x6e: {  	_ =	shalt  }
0x6f: {  	_ =	shalt  }
0x70: {  	_ =	shalt  }
0x71: {  	_ =	shalt  }
0x72: {  	_ =	shalt  }
0x73: {  	_ =	shalt  }
0x74: {  	_ =	shalt  }
0x75: {  	_ =	shalt  }
0x76: {  	_ =	shalt  }
0x77: {  	_ =	shalt  }
0x78: {  	_ =	shalt  }
0x79: {  	_ =	shalt  }
0x7a: {  	_ =	shalt  }
0x7b: {  	_ =	shalt  }
0x7c: {  	_ =	shalt  }
0x7d: {  	_ =	shalt  }
0x7e: {  	_ =	shalt  }
0x7f: {  	_ =	shalt  }
0x80: {  	_ =	shalt  }
0x81: {  	_ =	shalt  }
0x82: {  	_ =	shalt  }
0x83: {  	_ =	shalt  }
0x84: {  	_ =	shalt  }
0x85: {  	_ =	shalt  }
0x86: {  	_ =	shalt  }
0x87: {  	_ =	shalt  }
.Lfunc_end0:
.L_simem_size_0:
called_computation_lowered:
.L_overlay_start_0:
0x88: {  	s2 =	sld [smem:$0x3FD9]  }
0x89: {  	s3 =	sld [smem:$0x3FFE];
	_ =	sdelay $0x1  }
0x8a: {  	s1 =	srdreg.scid  }
0x8b: {  	s0 =	sand.u32 $0x1, s1  }
0x8c: {  	s17 =	sshll.u32 s0, $0xA;
	s2 =	sadd.s32 s3, s2  }
0x8d: {  	s2 =	sadd.s32 s2, s17  }
0x8e: {  	[smem:$0x3FC7] =	sst s2  }
0x8f: {  	_ = 	snop  }
0x90: {  	s2 =	sld [smem:$0x3FC9];
	(tm) =	ssettm $0x1  }
0x91: {  	s18 =	sld [smem:$0x3FFB];
	_ =	sdelay $0x3  }
0x92: {  	_ =	strace s18  }
0x93: {  	s3 =	sld [smem:$0x3FFC];
	_ =	sdelay $0x3  }
0x94: {  	_ =	strace s3  }
0x95: {  	s3 =	sld [smem:$0x3FFD];
	_ =	sdelay $0x3  }
0x96: {  	_ =	strace s3  }
0x97: {  	_ =	strace $0x8FFFFFFF  }
0x98: {  	s19 =	sld [smem:$0x3FDB];
	_ =	sdelay $0x1  }
0x99: {  	s4 =	simm.s32 $_scs_section_size  }
0x9a: {  	s5 =	simm.s32 $_size__tile_overlayer_lowered;
	s6 =	simm.s32 $_tile_overlayer_lowered  }
0x9b: {  	s22 =	simm.s32 $0x1BFF;
	s21 =	sshll.u32 s6, $0x1;
	s3 =	sadd.s32 s4, s19  }
0x9c: {  	s7 =	simm.s32 $0x0;
	s20 =	sshll.u32 s5, $0x1;
	s5 =	sadd.s32 s21, s3  }
0x9d: {  	[timem:s7], [sflag:s22] =	dma.local [hbm:s5], s20  }
0x9e: {  	_ =	swait.ge [sflag:s22], s20  }
0x9f: {  	s4 =	ssub.s32 $0x0, s20;
	[sflag:s22] =	ssyncset.done $0x0  }
0xa0: {  	[sflag:s22] =	ssyncadd.s32 s4;
	_ =	sdelay $0x1  }
0xa1: {  	s23 =	simm.s32 $0x1B8B  }
0xa2: {  	_ =	swait.ge [sflag:s23], $0x1  }
0xa3: {  	[sflag:s23] =	ssyncset.done $0x0  }
0xa4: {  	s25 =	simm.s32 $0x1B8E;
	s24 =	sld [smem:$0x3FFE];
	[sflag:s23] =	ssyncadd.s32 $0xFFFFFFFF  }
0xa5: {  	s26 =	simm.s32 $execute0_lowered;
	[smem:$0x3FD2] =	sst s25  }
0xa6: {  	s5 =	sshll.u32 s26, $0x1;
	_ =	strace $0x80000046;
	[dreg:$0x1] =	wrdreg $0xFFFFFFFF  }
0xa7: {  	s28 =	simm.s32 $_size_execute0_lowered;
	s3 =	sadd.s32 s3, s5;
	[dreg:$0x0] =	wrdreg $0x0  }
0xa8: {  	s5 =	sshll.u32 s28, $0x1;
	[dreg:$0x2] =	wrdreg s3  }
0xa9: {  	[dreg:$0x3] =	wrdreg s5  }
0xaa: {  	[dreg:$0x4] =	wrdreg $0xC0  }
0xab: {  	_ =	task [dreg:s7], $0x5FFFF  }
0xac: {  	[dreg:$0x1] =	wrdreg $0xFFFFFFFF  }
0xad: {  	[dreg:$0x0] =	wrdreg $0x60  }
0xae: {  	[dreg:$0x2] =	wrdreg s2  }
0xaf: {  	[dreg:$0x3] =	wrdreg s24  }
0xb0: {  	[dreg:$0x4] =	wrdreg $0x9  }
0xb1: {  	_ =	task.clear_ibuf [dreg:s7], $0x5FFFF;
	_ =	strace $0x90000046  }
0xb2: {  	s29 =	simm.s32 $0x9;
	_ =	strace $0x80000048  }
0xb3: {  	_ =	swait.ge [sflag:s29], $0x1  }
0xb4: {  	[sflag:s29] =	ssyncadd.s32 $0xFFFFFFFF  }
0xb5: {  	_ =	strace $0x90000048  }
0xb6: {  	_ =	sfence  }
0xb7: {  	s30 =	sld [smem:$0x0];
	_ =	sdelay $0x2  }
0xb8: {  	s31 =	sshll.u32 s1, $0xD;
	s1 =	sshrl.u32 s1, $0x2  }
0xb9: {  	s3 =	sand.u32 $0x4000, s31;
	s1 =	sadd.s32 s1, s30  }
0xba: {  	s0 =	sor.u32 s3, s0;
	s1 =	sshll.u32 s1, $0x11  }
0xbb: {  	s0 =	sor.u32 s1, s0  }
0xbc: {  	s0 =	sadd.s32 $0x8F2B, s0  }
0xbd: {  	[sflag:s0] =	ssyncadd.remote.s32 $0x1  }
0xbe: {  	_ =	sfence.sel $0xFFFF  }
0xbf: {  	[dreg:$0x0] =	wrdreg $0xFFFFFFFF;
	(pc) =	sbr.abs _section_cstart, $3  }
0xc0: {  	[dreg:$0x1] =	wrdreg $0xFFFFFFFF  }
0xc1: {  	_ =	task.clear_ibuf [dreg:s7], $0x2FFFF;
	_ =	strace $0x9FFFFFFF  }
0xc2: {  	(tm) =	ssettm $0x7FFFFFFF  }
0xc3: {  	_ =	shalt  }
tec
execute0_lowered:
.L_overlay_start_1:
0x0: {  	(tag) =	ssettag $0x1  }
0x1: {  	s9 =	rddreg [dreg:$0x0]  }
0x2: {  	s3 =	rddreg [dreg:$0x1]  }
0x3: {  	s0 =	rddreg [dreg:$0x2]  }
0x4: {  	s1 =	simm.s32 $0x0;
	s4 =	srdreg.scid;
	s2 =	stileid.u32  }
0x5: {  	[smem:$0x7FF] =	sst s1;
	s5 =	sadd.s32 $0xA00, s3;
	s6 =	sadd.s32 $0xE00, s3  }
0x6: {  	s24 =	sand.u32 $0x1, s4;
	s25 =	sshll.u32 s2, $0x1;
	s26 =	sshrl.u32 s2, $0x1  }
0x7: {  	s30 =	sshll.u32 s2, $0x6;
	_ =	strace $0x80000047;
	s7 =	ssub.s32 $0x2, s24  }
0x8: {  	s3 =	sor.u32 s24, s25;
	s10 =	smul.u32 $0x7A1400, s26;
	s13 =	sand.u32 $0x380, s30  }
0x9: {  	s8 =	sshrl.u32 s7, $0x1;
	s28 =	sshll.u32 s3, $0x8;
	s29 =	smul.u32 $0x1E8480, s3  }
0xa: {  	s12 =	sshllo.u32 s3, $0x1;
	s31 =	sshll.u32 s3, $0x5;
	s7 =	ssub.s32 s7, s8  }
0xb: {  	s4 =	sand.u32 $0x300, s28;
	s14 =	sshll.u32 s12, $0x4;
	s3 =	sadd.s32 s5, s31  }
0xc: {  	s15 =	sshll.u32 s12, $0x7;
	s12 =	smul.u32 $0xF4240, s12;
	s11 =	sor.u32 s4, s10  }
0xd: {  	s14 =	sand.u32 $0x70, s14;
	s4 =	sadd.s32 s6, s31;
	s15 =	sand.u32 $0x380, s15  }
0xe: {  	s7 =	smax.u32 s7, $0x1;
	s13 =	sor.u32 s13, s14;
	s10 =	sor.u32 s15, s10  }
0xf: {  	s11 =	sshrl.u32 s11, $0x3;
	v3 =	vmov s12;
	s12 =	simm.s32 $0x1;
	s14 =	simm.s32 $0x2080  }
0x10: {  	v1 =	vmov s29;
	s15 =	simm.s32 $0x0;
	s5 =	sadd.s32 s5, s13;
	s6 =	sadd.s32 s6, s13  }
0x11: {  	v4 =	vlaneseq.u32;
	v5 =	vimm.s32 $0xFFFFFF81;
	v0 =	vadd.s32 $0xCDDB151D, v1;
	s10 =	sshrl.u32 s10, $0x3;
	s8 =	sadd.s32 s9, s11;
	s11 =	simm.s32 $0x400  }
0x12: {  	v1 =	vadd.s32 $0x53A38AC, v1;
	v2 =	vadd.s32 $0xCDDB151D, v3;
	v3 =	vadd.s32 $0x53A38AC, v3;
	s13 =	simm.s32 $0x2000;
	s9 =	sadd.s32 s9, s10;
	s10 =	simm.s32 $0x80  }
.LBB2_1:
0x13: {  	v7 =	vimm.f32 $-Inf;
	v6 =	vimm.s32 $0x0;
	s16 =	simm.s32 $0xC2000;
	s17 =	simm.s32 $0x0  }
.LBB2_2:
0x14: {  	v8 =	vor.u32 s16, v4  }
0x15: {  	v9 =	vadd.s32 v0, v8  }
0x16: {  	v10 =	vshrl.u32 v9, $0x13;
	v9 =	vshll.u32 v9, $0xD  }
0x17: {  	v11 =	vadd.s32 v1, v8;
	v9 =	vor.u32 v10, v9  }
0x18: {  	v9 =	vxor.u32 v11, v9  }
0x19: {  	v10 =	vshrl.u32 v9, $0x11;
	v12 =	vshll.u32 v9, $0xF  }
0x1a: {  	v9 =	vadd.s32 v11, v9;
	v10 =	vor.u32 v10, v12  }
0x1b: {  	v10 =	vxor.u32 v10, v9  }
0x1c: {  	v11 =	vshrl.u32 v10, $0x6;
	v12 =	vshll.u32 v10, $0x1A  }
0x1d: {  	v9 =	vadd.s32 v9, v10;
	v10 =	vor.u32 v11, v12  }
0x1e: {  	v10 =	vxor.u32 v10, v9  }
0x1f: {  	v11 =	vshrl.u32 v10, $0x1A;
	v12 =	vshll.u32 v10, $0x6  }
0x20: {  	v9 =	vadd.s32 v9, v10;
	v10 =	vor.u32 v11, v12  }
0x21: {  	v10 =	vxor.u32 v10, v9  }
0x22: {  	v10 =	vadd.s32 $0xE1552D49, v10  }
0x23: {  	v9 =	vadd.s32 v10, v9;
	v11 =	vshrl.u32 v10, $0xF;
	v10 =	vshll.u32 v10, $0x11  }
0x24: {  	v9 =	vadd.s32 $0xCDDB151D, v9;
	v10 =	vor.u32 v11, v10  }
0x25: {  	v10 =	vxor.u32 v10, v9  }
0x26: {  	v11 =	vshrl.u32 v10, $0x3;
	v12 =	vshll.u32 v10, $0x1D  }
0x27: {  	v9 =	vadd.s32 v9, v10;
	v10 =	vor.u32 v11, v12  }
0x28: {  	v10 =	vxor.u32 v10, v9  }
0x29: {  	v11 =	vshrl.u32 v10, $0x10;
	v12 =	vshll.u32 v10, $0x10  }
0x2a: {  	v9 =	vadd.s32 v9, v10;
	v10 =	vor.u32 v11, v12  }
0x2b: {  	v10 =	vxor.u32 v10, v9  }
0x2c: {  	v11 =	vshrl.u32 v10, $0x8;
	v12 =	vshll.u32 v10, $0x18  }
0x2d: {  	v9 =	vadd.s32 v9, v10;
	v10 =	vor.u32 v11, v12  }
0x2e: {  	v10 =	vxor.u32 v10, v9  }
0x2f: {  	v10 =	vadd.s32 $0x375F2391, v10  }
0x30: {  	v9 =	vadd.s32 v10, v9;
	v11 =	vshrl.u32 v10, $0x13;
	v10 =	vshll.u32 v10, $0xD  }
0x31: {  	v9 =	vadd.s32 $0xE1552D48, v9;
	v10 =	vor.u32 v11, v10  }
0x32: {  	v10 =	vxor.u32 v10, v9  }
0x33: {  	v11 =	vshrl.u32 v10, $0x11;
	v12 =	vshll.u32 v10, $0xF  }
0x34: {  	v9 =	vadd.s32 v9, v10;
	v10 =	vor.u32 v11, v12  }
0x35: {  	v10 =	vxor.u32 v10, v9  }
0x36: {  	v11 =	vshrl.u32 v10, $0x6;
	v12 =	vshll.u32 v10, $0x1A  }
0x37: {  	v9 =	vadd.s32 v9, v10;
	v10 =	vor.u32 v11, v12  }
0x38: {  	v10 =	vxor.u32 v10, v9  }
0x39: {  	v11 =	vshrl.u32 v10, $0x1A;
	v12 =	vshll.u32 v10, $0x6  }
0x3a: {  	v9 =	vadd.s32 v9, v10;
	v10 =	vor.u32 v11, v12  }
0x3b: {  	v10 =	vxor.u32 v10, v9  }
0x3c: {  	v10 =	vadd.s32 $0xCDDB1520, v10  }
0x3d: {  	v9 =	vadd.s32 v10, v9;
	v11 =	vshrl.u32 v10, $0xF;
	v10 =	vshll.u32 v10, $0x11  }
0x3e: {  	v9 =	vadd.s32 $0x375F238F, v9;
	v10 =	vor.u32 v11, v10  }
0x3f: {  	v10 =	vxor.u32 v10, v9  }
0x40: {  	v11 =	vshrl.u32 v10, $0x3;
	v12 =	vshll.u32 v10, $0x1D  }
0x41: {  	v10 =	vadd.s32 v9, v10;
	v9 =	vor.u32 v11, v12  }
0x42: {  	v11 =	vxor.u32 v9, v10  }
0x43: {  	s18 =	sadd.s32 $0x10, s16;
	v12 =	vshrl.u32 v11, $0x10;
	v13 =	vshll.u32 v11, $0x10  }
0x44: {  	v9 =	vor.u32 s18, v4;
	v10 =	vadd.s32 v10, v11;
	v11 =	vor.u32 v12, v13  }
0x45: {  	v12 =	vadd.s32 v0, v9;
	v11 =	vxor.u32 v11, v10  }
0x46: {  	v13 =	vshrl.u32 v12, $0x13;
	v14 =	vshrl.u32 v11, $0x8;
	v15 =	vshll.u32 v11, $0x18  }
0x47: {  	v12 =	vshll.u32 v12, $0xD;
	v10 =	vadd.s32 v10, v11;
	v11 =	vor.u32 v14, v15  }
0x48: {  	v12 =	vor.u32 v13, v12;
	v14 =	vadd.s32 v1, v9;
	v11 =	vxor.u32 v11, v10  }
0x49: {  	v12 =	vxor.u32 v14, v12;
	v11 =	vadd.s32 $0xE1552D4C, v11  }
0x4a: {  	v14 =	vadd.s32 v14, v12;
	v10 =	vadd.s32 v11, v10  }
0x4b: {  	v13 =	vshrl.u32 v11, $0x13;
	v11 =	vshll.u32 v11, $0xD;
	v10 =	vadd.s32 $0xCDDB151D, v10  }
0x4c: {  	v11 =	vor.u32 v13, v11;
	v13 =	vshrl.u32 v12, $0x11;
	v12 =	vshll.u32 v12, $0xF  }
0x4d: {  	v11 =	vxor.u32 v11, v10;
	v12 =	vor.u32 v13, v12  }
0x4e: {  	v13 =	vshrl.u32 v11, $0x11;
	v15 =	vshll.u32 v11, $0xF;
	v12 =	vxor.u32 v12, v14  }
0x4f: {  	v10 =	vadd.s32 v10, v11;
	v11 =	vor.u32 v13, v15;
	v13 =	vadd.s32 v14, v12  }
0x50: {  	v14 =	vshrl.u32 v12, $0x6;
	v12 =	vshll.u32 v12, $0x1A;
	v11 =	vxor.u32 v11, v10  }
0x51: {  	v12 =	vor.u32 v14, v12;
	v15 =	vshrl.u32 v11, $0x6;
	v16 =	vshll.u32 v11, $0x1A  }
0x52: {  	v10 =	vadd.s32 v10, v11;
	v12 =	vxor.u32 v12, v13;
	v11 =	vor.u32 v15, v16  }
0x53: {  	v14 =	vshrl.u32 v12, $0x1A;
	v17 =	vshll.u32 v12, $0x6;
	v11 =	vxor.u32 v11, v10  }
0x54: {  	v12 =	vadd.s32 v13, v12;
	v15 =	vshrl.u32 v11, $0x1A;
	v16 =	vshll.u32 v11, $0x6  }
0x55: {  	v13 =	vor.u32 v14, v17;
	v10 =	vadd.s32 v10, v11;
	v11 =	vor.u32 v15, v16  }
0x56: {  	v13 =	vxor.u32 v13, v12;
	v11 =	vxor.u32 v11, v10  }
0x57: {  	v13 =	vadd.s32 $0xE1552D49, v13;
	v10 =	vadd.s32 $0xE1552D48, v10;
	v11 =	vadd.s32 $0x375F2394, v11  }
0x58: {  	v10 =	vxor.u32 v10, v11;
	v11 =	vadd.s32 v13, v12  }
0x59: {  	v12 =	vshrl.u32 v13, $0xF;
	v13 =	vshll.u32 v13, $0x11;
	v10 =	vshrl.u32 v10, $0x9  }
0x5a: {  	v11 =	vadd.s32 $0xCDDB151D, v11;
	v12 =	vor.u32 v12, v13;
	v10 =	vor.u32 $0x3F800000, v10  }
0x5b: {  	v13 =	vadd.f32 $-1.000000000e+00, v10;
	v10 =	vxor.u32 v12, v11  }
0x5c: {  	v12 =	vshrl.u32 v10, $0x3;
	v14 =	vshll.u32 v10, $0x1D  }
0x5d: {  	v10 =	vadd.s32 v11, v10;
	v15 =	vand.u32 $0x7FFFFF, v13;
	v11 =	vor.u32 v12, v14  }
0x5e: {  	v12 =	vor.u32 $0x3F800000, v15;
	v11 =	vxor.u32 v11, v10  }
0x5f: {  	v14 =	vmul.f32 $5.000000000e-01, v12;
	v15 =	vshrl.u32 v11, $0x10;
	v16 =	vshll.u32 v11, $0x10  }
0x60: {  	vm0 =	vge.f32 v12, $1.414213540e+00;
	v10 =	vadd.s32 v10, v11;
	v11 =	vor.u32 v15, v16  }
0x61: {  	v12 =	vsel vm0, v14, v12;
	v11 =	vxor.u32 v11, v10  }
0x62: {  	v12 =	vadd.f32 $-1.000000000e+00, v12;
	v14 =	vshrl.u32 v11, $0x8;
	v15 =	vshll.u32 v11, $0x18  }
0x63: {  	v11 =	vadd.s32 v10, v11;
	v10 =	vor.u32 v14, v15  }
0x64: {  	v14 =	vmul.f32 $1.043441970e-01, v12;
	v10 =	vxor.u32 v10, v11  }
0x65: {  	s21 =	sadd.s32 $0x10, s18;
	v13 =	vshrl.u32 v13, $0x17;
	v15 =	vadd.s32 $0x375F2391, v10  }
0x66: {  	v10 =	vor.u32 s21, v4;
	v14 =	vsub.f32 $1.608034970e-01, v14;
	v11 =	vadd.s32 v15, v11  }
0x67: {  	v16 =	vshrl.u32 v15, $0x13;
	v15 =	vshll.u32 v15, $0xD;
	v17 =	vadd.s32 v0, v10  }
0x68: {  	v11 =	vadd.s32 $0xE1552D48, v11;
	v15 =	vor.u32 v16, v15;
	v14 =	vmul.f32 v14, v12  }
0x69: {  	v16 =	vshrl.u32 v17, $0x13;
	v17 =	vshll.u32 v17, $0xD;
	v15 =	vxor.u32 v15, v11  }
0x6a: {  	v18 =	vshrl.u32 v15, $0x11;
	v19 =	vshll.u32 v15, $0xF;
	v14 =	vadd.f32 $-1.710210740e-01, v14  }
0x6b: {  	v16 =	vor.u32 v16, v17;
	v11 =	vadd.s32 v11, v15;
	v15 =	vor.u32 v18, v19  }
0x6c: {  	v18 =	vadd.s32 v1, v10;
	v15 =	vxor.u32 v15, v11;
	v14 =	vmul.f32 v14, v12  }
0x6d: {  	v16 =	vxor.u32 v18, v16;
	v17 =	vshrl.u32 v15, $0x6;
	v19 =	vshll.u32 v15, $0x1A  }
0x6e: {  	v11 =	vadd.s32 v11, v15;
	v20 =	vshll.u32 v16, $0xF;
	v14 =	vadd.f32 $1.991821230e-01, v14  }
0x6f: {  	v15 =	vor.u32 v17, v19;
	v17 =	vshrl.u32 v16, $0x11;
	v16 =	vadd.s32 v18, v16  }
0x70: {  	v15 =	vxor.u32 v15, v11;
	v17 =	vor.u32 v17, v20;
	v14 =	vmul.f32 v14, v12  }
0x71: {  	v11 =	vadd.s32 v11, v15;
	v19 =	vshrl.u32 v15, $0x1A;
	v15 =	vshll.u32 v15, $0x6  }
0x72: {  	v17 =	vxor.u32 v17, v16;
	v15 =	vor.u32 v19, v15;
	v14 =	vadd.f32 $-2.498344780e-01, v14  }
0x73: {  	v16 =	vadd.s32 v16, v17;
	v18 =	vshrl.u32 v17, $0x6;
	v15 =	vxor.u32 v15, v11  }
0x74: {  	v17 =	vshll.u32 v17, $0x1A;
	v15 =	vadd.s32 $0xCDDB1520, v15;
	v14 =	vmul.f32 v14, v12  }
0x75: {  	v11 =	vadd.s32 v15, v11;
	v19 =	vshrl.u32 v15, $0xF;
	v15 =	vshll.u32 v15, $0x11  }
0x76: {  	v11 =	vadd.s32 $0x375F238F, v11;
	v15 =	vor.u32 v19, v15;
	v14 =	vadd.f32 $3.333435360e-01, v14  }
0x77: {  	v21 =	vmul.f32 v12, v12;
	v17 =	vor.u32 v18, v17;
	v15 =	vxor.u32 v15, v11  }
0x78: {  	v18 =	vshrl.u32 v15, $0x3;
	v19 =	vshll.u32 v15, $0x1D;
	v14 =	vmul.f32 v14, v12  }
0x79: {  	v20 =	vsel vm0, $0xFFFFFF82, v5;
	v11 =	vadd.s32 v11, v15;
	v15 =	vor.u32 v18, v19  }
0x7a: {  	v13 =	vadd.s32 v13, v20;
	v15 =	vxor.u32 v15, v11;
	v14 =	vadd.f32 $-5.000008340e-01, v14  }
0x7b: {  	v13 =	vcvt.s32.f32 v13;
	v11 =	vadd.s32 v11, v15  }
0x7c: {  	v18 =	vshrl.u32 v15, $0x10;
	v15 =	vshll.u32 v15, $0x10;
	v14 =	vmul.f32 v14, v21  }
0x7d: {  	v15 =	vor.u32 v18, v15  }
0x7e: {  	v13 =	vmul.f32 $6.931471820e-01, v13;
	v15 =	vxor.u32 v15, v11;
	v12 =	vadd.f32 v14, v12  }
0x7f: {  	v18 =	vshll.u32 v15, $0x18  }
0x80: {  	v14 =	vxor.u32 v17, v16;
	v17 =	vshrl.u32 v15, $0x8;
	v12 =	vadd.f32 v12, v13  }
0x81: {  	v15 =	vadd.s32 v11, v15;
	v11 =	vor.u32 v17, v18;
	v17 =	vshll.u32 v14, $0x6  }
0x82: {  	v13 =	vshrl.u32 v14, $0x1A;
	v18 =	vxor.u32 v11, v15;
	v11 =	vsub.f32 $0.0e+00, v12  }
0x83: {  	v16 =	vadd.s32 v16, v14;
	v12 =	vor.u32 v13, v17;
	v13 =	vadd.s32 $0xE1552D4C, v18  }
0x84: {  	v12 =	vxor.u32 v12, v16;
	v14 =	vadd.s32 v13, v15;
	v15 =	vand.u32 $0x7FFFFF, v11  }
0x85: {  	s31 =	sshll.u32 s17, $0xD;
	v17 =	vshrl.u32 v13, $0x13;
	v13 =	vshll.u32 v13, $0xD;
	v15 =	vor.u32 $0x3F800000, v15  }
0x86: {  	s18 =	sadd.s32 s8, s31;
	v14 =	vadd.s32 $0xCDDB151D, v14;
	v13 =	vor.u32 v17, v13;
	v17 =	vmul.f32 $5.000000000e-01, v15  }
0x87: {  	s19 =	sadd.s32 $0xC2000, s18;
	s18 =	simm.s32 $0x0;
	v18 =	vadd.s32 $0xE1552D49, v12;
	v12 =	vxor.u32 v13, v14;
	vm0 =	vge.f32 v15, $1.414213540e+00  }
0x88: {  	[tilespmem:s18], [sflag:$0x1] =	stream.strided.gather [hbm4b:s19+s10], $0x2000, s11, s10, $0x38;
	v13 =	vshrl.u32 v12, $0x11;
	v19 =	vshll.u32 v12, $0xF;
	v15 =	vsel vm0, v17, v15;
	[tilespmem:$0x2100] =	vst v63  }
0x89: {  	_ =	swait.ge [sflag:s12], $0x2000;
	v14 =	vadd.s32 v14, v12;
	v13 =	vor.u32 v13, v19;
	v12 =	vadd.f32 $-1.000000000e+00, v15  }
0x8a: {  	s20 =	simm.s32 $0x40;
	[sflag:s12] =	ssyncset.done $0x0;
	v20 =	vadd.s32 v18, v16;
	v19 =	vshrl.u32 v18, $0xF;
	v15 =	vxor.u32 v13, v14  }
0x8b: {  	s22 =	simm.s32 $0xC0;
	s19 =	simm.s32 $0x80;
	[sflag:s12] =	ssyncadd.s32 $0xFFFFE000;
	v16 =	vshrl.u32 v15, $0x6;
	v17 =	vshll.u32 v15, $0x1A;
	v13 =	vmul.f32 $1.043441970e-01, v12  }
.LBB2_3:
0x8c: {  	p0 =	sne.s32 s22, $0x7FC0;
	v18 =	vshll.u32 v18, $0x11;
	v14 =	vadd.s32 v14, v15;
	v15 =	vor.u32 v16, v17  }
0x8d: {  	v16 =	vadd.s32 $0xCDDB151D, v20;
	v15 =	vxor.u32 v15, v14;
	v13 =	vsub.f32 $1.608034970e-01, v13  }
0x8e: {  	v17 =	vor.u32 v19, v18;
	v18 =	vshrl.u32 v15, $0x1A;
	v19 =	vshll.u32 v15, $0x6  }
0x8f: {  	v14 =	vadd.s32 v14, v15;
	v15 =	vor.u32 v18, v19;
	v13 =	vmul.f32 v13, v12  }
0x90: {  	v17 =	vxor.u32 v17, v16;
	v15 =	vxor.u32 v15, v14  }
0x91: {  	s21 =	sadd.s32 $0x10, s21;
	v14 =	vadd.s32 $0xE1552D48, v14;
	v15 =	vadd.s32 $0x375F2394, v15;
	v18 =	vadd.f32 $-1.710210740e-01, v13  }
0x92: {  	v19 =	vshrl.u32 v17, $0x3;
	v13 =	vor.u32 s21, v4;
	v14 =	vxor.u32 v14, v15  }
0x93: {  	v15 =	vshll.u32 v17, $0x1D;
	v14 =	vshrl.u32 v14, $0x9;
	v18 =	vmul.f32 v18, v12  }
0x94: {  	v16 =	vadd.s32 v16, v17;
	v15 =	vor.u32 v19, v15;
	v14 =	vor.u32 $0x3F800000, v14  }
0x95: {  	v15 =	vxor.u32 v15, v16;
	v14 =	vadd.f32 $-1.000000000e+00, v14;
	v17 =	vadd.f32 $1.991821230e-01, v18  }
0x96: {  	v16 =	vadd.s32 v16, v15;
	v18 =	vshrl.u32 v15, $0x10;
	v15 =	vshll.u32 v15, $0x10  }
0x97: {  	v15 =	vor.u32 v18, v15;
	v18 =	vand.u32 $0x7FFFFF, v14;
	v17 =	vmul.f32 v17, v12  }
0x98: {  	v19 =	vadd.s32 v1, v13;
	v15 =	vxor.u32 v15, v16;
	v18 =	vor.u32 $0x3F800000, v18  }
0x99: {  	v16 =	vadd.s32 v16, v15;
	v20 =	vmul.f32 $5.000000000e-01, v18;
	v17 =	vadd.f32 $-2.498344780e-01, v17  }
0x9a: {  	v21 =	vshrl.u32 v15, $0x8;
	v15 =	vshll.u32 v15, $0x18;
	vm1 =	vge.f32 v18, $1.414213540e+00  }
0x9b: {  	v15 =	vor.u32 v21, v15;
	v18 =	vsel vm1, v20, v18;
	v17 =	vmul.f32 v17, v12  }
0x9c: {  	v15 =	vxor.u32 v15, v16;
	v20 =	vadd.s32 v0, v13;
	v18 =	vadd.f32 $-1.000000000e+00, v18  }
0x9d: {  	v15 =	vadd.s32 $0x375F2391, v15;
	v21 =	vshrl.u32 v20, $0x13;
	v17 =	vadd.f32 $3.333435360e-01, v17  }
0x9e: {  	v20 =	vshll.u32 v20, $0xD;
	v16 =	vadd.s32 v15, v16;
	v22 =	vmul.f32 $1.043441970e-01, v18  }
0x9f: {  	v23 =	vshrl.u32 v15, $0x13;
	v15 =	vshll.u32 v15, $0xD;
	v17 =	vmul.f32 v17, v12  }
0xa0: {  	v11 =	vshrl.u32 v11, $0x17;
	v16 =	vadd.s32 $0xE1552D48, v16;
	v22 =	vsub.f32 $1.608034970e-01, v22  }
0xa1: {  	v24 =	vsel vm0, $0xFFFFFF82, v5;
	v25 =	vmul.f32 v12, v12;
	v17 =	vadd.f32 $-5.000008340e-01, v17  }
0xa2: {  	v11 =	vadd.s32 v11, v24;
	v15 =	vor.u32 v23, v15;
	v22 =	vmul.f32 v22, v18  }
0xa3: {  	v11 =	vcvt.s32.f32 v11;
	v15 =	vxor.u32 v15, v16;
	v17 =	vmul.f32 v17, v25  }
0xa4: {  	v20 =	vor.u32 v21, v20;
	v21 =	vshrl.u32 v15, $0x11;
	v23 =	vshll.u32 v15, $0xF  }
0xa5: {  	s23 =	sshra.s32 s18, $0x2;
	s18 =	smov.u32 s20;
	s20 =	smov.u32 s19;
	v11 =	vmul.f32 $6.931471820e-01, v11;
	v22 =	vadd.f32 $-1.710210740e-01, v22;
	v12 =	vadd.f32 v17, v12  }
0xa6: {  	s19 =	smov.u32 s22;
	v15 =	vadd.s32 v16, v15;
	v16 =	vor.u32 v21, v23;
	v17 =	vxor.u32 v19, v20;
	v20 =	vld [tilespmem:s23+$0x0]  }
0xa7: {  	v16 =	vxor.u32 v16, v15;
	v21 =	vmul.f32 v22, v18;
	v11 =	vadd.f32 v12, v11  }
0xa8: {  	v22 =	vshrl.u32 v16, $0x6;
	v12 =	vadd.s32 v19, v17;
	v19 =	vshrl.u32 v17, $0x11  }
0xa9: {  	v23 =	vshll.u32 v16, $0x1A;
	v21 =	vadd.f32 $1.991821230e-01, v21;
	v11 =	vsub.f32 $0.0e+00, v11  }
0xaa: {  	v15 =	vadd.s32 v15, v16;
	v17 =	vshll.u32 v17, $0xF;
	v16 =	vor.u32 v22, v23  }
0xab: {  	v16 =	vxor.u32 v16, v15;
	v21 =	vmul.f32 v21, v18;
	v11 =	vadd.f32 v20, v11  }
0xac: {  	v15 =	vadd.s32 v15, v16;
	v20 =	vshrl.u32 v16, $0x1A;
	v16 =	vshll.u32 v16, $0x6  }
0xad: {  	v16 =	vor.u32 v20, v16;
	v20 =	vadd.f32 $-2.498344780e-01, v21;
	vm0 =	vgt.f32 v11, v7  }
0xae: {  	v17 =	vor.u32 v19, v17;
	v16 =	vxor.u32 v16, v15;
	v7 =	vsel vm0, v11, v7  }
0xaf: {  	v11 =	vxor.u32 v17, v12;
	v16 =	vadd.s32 $0xCDDB1520, v16;
	v17 =	vmul.f32 v20, v18  }
0xb0: {  	v12 =	vadd.s32 v12, v11;
	v19 =	vshrl.u32 v11, $0x6;
	v15 =	vadd.s32 v16, v15  }
0xb1: {  	v20 =	vshrl.u32 v16, $0xF;
	v16 =	vshll.u32 v16, $0x11;
	v17 =	vadd.f32 $3.333435360e-01, v17  }
0xb2: {  	v11 =	vshll.u32 v11, $0x1A;
	v15 =	vadd.s32 $0x375F238F, v15;
	v16 =	vor.u32 v20, v16  }
0xb3: {  	v11 =	vor.u32 v19, v11;
	v16 =	vxor.u32 v16, v15;
	v17 =	vmul.f32 v17, v18  }
0xb4: {  	v14 =	vshrl.u32 v14, $0x17;
	v19 =	vshrl.u32 v16, $0x3;
	v20 =	vshll.u32 v16, $0x1D  }
0xb5: {  	v22 =	vmul.f32 v18, v18;
	v21 =	vsel vm1, $0xFFFFFF82, v5;
	v17 =	vadd.f32 $-5.000008340e-01, v17  }
0xb6: {  	v14 =	vadd.s32 v14, v21;
	v15 =	vadd.s32 v15, v16;
	v16 =	vor.u32 v19, v20  }
0xb7: {  	v14 =	vcvt.s32.f32 v14;
	v16 =	vxor.u32 v16, v15;
	v17 =	vmul.f32 v17, v22  }
0xb8: {  	v15 =	vadd.s32 v15, v16;
	v19 =	vshrl.u32 v16, $0x10;
	v16 =	vshll.u32 v16, $0x10  }
0xb9: {  	v14 =	vmul.f32 $6.931471820e-01, v14;
	v16 =	vor.u32 v19, v16;
	v17 =	vadd.f32 v17, v18  }
0xba: {  	v6 =	vsel vm0, v8, v6;
	v8 =	vmovc v9;
	v18 =	vxor.u32 v11, v12;
	v11 =	vxor.u32 v16, v15  }
0xbb: {  	v9 =	vmovc v10;
	v10 =	vmovc v13;
	v16 =	vshrl.u32 v11, $0x8;
	v19 =	vshll.u32 v11, $0x18;
	v14 =	vadd.f32 v17, v14  }
0xbc: {  	v13 =	vshrl.u32 v18, $0x1A;
	v15 =	vadd.s32 v15, v11;
	v11 =	vor.u32 v16, v19  }
0xbd: {  	v16 =	vshll.u32 v18, $0x6;
	v17 =	vxor.u32 v11, v15;
	v11 =	vsub.f32 $0.0e+00, v14  }
0xbe: {  	v19 =	vadd.s32 v12, v18;
	v12 =	vor.u32 v13, v16;
	v13 =	vadd.s32 $0xE1552D4C, v17  }
0xbf: {  	v12 =	vxor.u32 v12, v19;
	v14 =	vadd.s32 v13, v15;
	v15 =	vand.u32 $0x7FFFFF, v11  }
0xc0: {  	v16 =	vshrl.u32 v13, $0x13;
	v13 =	vshll.u32 v13, $0xD;
	v15 =	vor.u32 $0x3F800000, v15  }
0xc1: {  	v14 =	vadd.s32 $0xCDDB151D, v14;
	v13 =	vor.u32 v16, v13;
	v16 =	vmul.f32 $5.000000000e-01, v15  }
.Ltmp0:
0xc2: {  	v18 =	vadd.s32 $0xE1552D49, v12;
	v12 =	vxor.u32 v13, v14;
	vm0 =	vge.f32 v15, $1.414213540e+00;
	(pc) =	sbr.rel @p0 .LBB2_3-.Ltmp0, $4  }
0xc3: {  	v13 =	vshrl.u32 v12, $0x11;
	v17 =	vshll.u32 v12, $0xF;
	v15 =	vsel vm0, v16, v15  }
0xc4: {  	v14 =	vadd.s32 v14, v12;
	v13 =	vor.u32 v13, v17;
	v12 =	vadd.f32 $-1.000000000e+00, v15  }
0xc5: {  	v20 =	vadd.s32 v18, v19;
	v19 =	vshrl.u32 v18, $0xF;
	v15 =	vxor.u32 v13, v14  }
0xc6: {  	s22 =	sadd.s32 $0x40, s22;
	v16 =	vshrl.u32 v15, $0x6;
	v17 =	vshll.u32 v15, $0x1A;
	v13 =	vmul.f32 $1.043441970e-01, v12  }
0xc7: {  	v18 =	vshll.u32 v18, $0x11  }
0xc8: {  	v20 =	vadd.s32 $0xCDDB151D, v20;
	v18 =	vor.u32 v19, v18  }
0xc9: {  	v18 =	vxor.u32 v18, v20  }
0xca: {  	v30 =	vshrl.u32 v18, $0x3;
	v21 =	vshll.u32 v18, $0x1D  }
0xcb: {  	v18 =	vadd.s32 v20, v18;
	v19 =	vor.u32 v30, v21  }
0xcc: {  	v19 =	vxor.u32 v19, v18  }
0xcd: {  	v31 =	vshrl.u32 v19, $0x10;
	v32 =	vshll.u32 v19, $0x10  }
0xce: {  	v18 =	vadd.s32 v18, v19;
	v33 =	vor.u32 v31, v32  }
0xcf: {  	v19 =	vxor.u32 v33, v18  }
0xd0: {  	v34 =	vshrl.u32 v19, $0x8;
	v35 =	vshll.u32 v19, $0x18  }
0xd1: {  	v18 =	vadd.s32 v18, v19;
	v36 =	vor.u32 v34, v35  }
0xd2: {  	v19 =	vxor.u32 v36, v18  }
0xd3: {  	v19 =	vadd.s32 $0x375F2391, v19  }
0xd4: {  	v18 =	vadd.s32 v19, v18;
	v37 =	vshrl.u32 v19, $0x13;
	v19 =	vshll.u32 v19, $0xD  }
0xd5: {  	v18 =	vadd.s32 $0xE1552D48, v18;
	v19 =	vor.u32 v37, v19  }
0xd6: {  	v19 =	vxor.u32 v19, v18  }
0xd7: {  	v38 =	vshrl.u32 v19, $0x11;
	v39 =	vshll.u32 v19, $0xF  }
0xd8: {  	v18 =	vadd.s32 v18, v19;
	v40 =	vor.u32 v38, v39  }
0xd9: {  	v19 =	vxor.u32 v40, v18  }
0xda: {  	v41 =	vshrl.u32 v19, $0x6;
	v42 =	vshll.u32 v19, $0x1A  }
0xdb: {  	v18 =	vadd.s32 v18, v19;
	v43 =	vor.u32 v41, v42  }
0xdc: {  	v19 =	vxor.u32 v43, v18  }
0xdd: {  	v44 =	vshrl.u32 v19, $0x1A;
	v45 =	vshll.u32 v19, $0x6  }
0xde: {  	v18 =	vadd.s32 v18, v19;
	v46 =	vor.u32 v44, v45  }
0xdf: {  	v19 =	vxor.u32 v46, v18  }
0xe0: {  	v19 =	vadd.s32 $0xCDDB1520, v19  }
0xe1: {  	v18 =	vadd.s32 v19, v18;
	v47 =	vshrl.u32 v19, $0xF;
	v19 =	vshll.u32 v19, $0x11  }
0xe2: {  	v18 =	vadd.s32 $0x375F238F, v18;
	v19 =	vor.u32 v47, v19  }
0xe3: {  	v19 =	vxor.u32 v19, v18  }
0xe4: {  	v48 =	vshrl.u32 v19, $0x3;
	v49 =	vshll.u32 v19, $0x1D  }
0xe5: {  	v18 =	vadd.s32 v18, v19;
	v50 =	vor.u32 v48, v49  }
0xe6: {  	v19 =	vxor.u32 v50, v18  }
0xe7: {  	v51 =	vshrl.u32 v19, $0x10;
	v52 =	vshll.u32 v19, $0x10  }
0xe8: {  	v18 =	vadd.s32 v18, v19;
	v53 =	vor.u32 v51, v52  }
0xe9: {  	v19 =	vxor.u32 v53, v18  }
0xea: {  	v54 =	vshrl.u32 v19, $0x8;
	v55 =	vshll.u32 v19, $0x18  }
0xeb: {  	v18 =	vadd.s32 v18, v19;
	v56 =	vor.u32 v54, v55  }
0xec: {  	v19 =	vxor.u32 v56, v18  }
0xed: {  	v19 =	vadd.s32 $0xE1552D4C, v19  }
0xee: {  	v18 =	vadd.s32 v19, v18;
	v57 =	vshrl.u32 v19, $0x13;
	v19 =	vshll.u32 v19, $0xD  }
0xef: {  	v18 =	vadd.s32 $0xCDDB151D, v18;
	v19 =	vor.u32 v57, v19  }
0xf0: {  	v14 =	vadd.s32 v14, v15;
	v58 =	vxor.u32 v19, v18  }
0xf1: {  	v16 =	vor.u32 v16, v17;
	v59 =	vshrl.u32 v58, $0x11;
	v19 =	vshll.u32 v58, $0xF  }
0xf2: {  	v16 =	vxor.u32 v16, v14;
	v15 =	vadd.s32 v18, v58;
	v17 =	vor.u32 v59, v19  }
0xf3: {  	v60 =	vshrl.u32 v16, $0x1A;
	v61 =	vshll.u32 v16, $0x6;
	v17 =	vxor.u32 v17, v15  }
0xf4: {  	v14 =	vadd.s32 v14, v16;
	v62 =	vshrl.u32 v17, $0x6;
	v63 =	vshll.u32 v17, $0x1A  }
0xf5: {  	v18 =	vor.u32 v60, v61;
	v15 =	vadd.s32 v15, v17;
	v16 =	vor.u32 v62, v63  }
0xf6: {  	v24 =	vxor.u32 v18, v14;
	v16 =	vxor.u32 v16, v15  }
0xf7: {  	v14 =	vadd.s32 $0xE1552D48, v14;
	v25 =	vshrl.u32 v16, $0x1A;
	v26 =	vshll.u32 v16, $0x6  }
0xf8: {  	v17 =	vadd.s32 $0x375F2394, v24;
	v15 =	vadd.s32 v15, v16;
	v27 =	vor.u32 v25, v26  }
0xf9: {  	v14 =	vxor.u32 v14, v17;
	v16 =	vxor.u32 v27, v15  }
0xfa: {  	v14 =	vshrl.u32 v14, $0x9;
	v15 =	vadd.s32 $0xE1552D48, v15;
	v16 =	vadd.s32 $0x375F2394, v16  }
0xfb: {  	v14 =	vor.u32 $0x3F800000, v14;
	v15 =	vxor.u32 v15, v16  }
0xfc: {  	v14 =	vadd.f32 $-1.000000000e+00, v14;
	v15 =	vshrl.u32 v15, $0x9  }
0xfd: {  	v15 =	vor.u32 $0x3F800000, v15  }
0xfe: {  	v28 =	vand.u32 $0x7FFFFF, v14;
	v15 =	vadd.f32 $-1.000000000e+00, v15  }
0xff: {  	v16 =	vor.u32 $0x3F800000, v28  }
0x100: {  	v29 =	vmul.f32 $5.000000000e-01, v16;
	v30 =	vand.u32 $0x7FFFFF, v15  }
0x101: {  	vm2 =	vge.f32 v16, $1.414213540e+00;
	v31 =	vor.u32 $0x3F800000, v30  }
0x102: {  	v16 =	vsel vm2, v29, v16;
	v18 =	vmul.f32 $5.000000000e-01, v31  }
0x103: {  	v16 =	vadd.f32 $-1.000000000e+00, v16;
	vm1 =	vge.f32 v31, $1.414213540e+00  }
0x104: {  	v17 =	vsel vm1, v18, v31  }
0x105: {  	v32 =	vmul.f32 $1.043441970e-01, v16;
	v17 =	vadd.f32 $-1.000000000e+00, v17;
	_ =	sdelay $0x1  }
0x106: {  	v33 =	vsub.f32 $1.608034970e-01, v32;
	v34 =	vmul.f32 $1.043441970e-01, v17;
	_ =	sdelay $0x1  }
0x107: {  	v18 =	vmul.f32 v33, v16;
	v19 =	vsub.f32 $1.608034970e-01, v34;
	_ =	sdelay $0x1  }
0x108: {  	v18 =	vadd.f32 $-1.710210740e-01, v18;
	v19 =	vmul.f32 v19, v17;
	_ =	sdelay $0x1  }
0x109: {  	v18 =	vmul.f32 v18, v16;
	v19 =	vadd.f32 $-1.710210740e-01, v19;
	_ =	sdelay $0x1  }
0x10a: {  	v18 =	vadd.f32 $1.991821230e-01, v18;
	v19 =	vmul.f32 v19, v17;
	_ =	sdelay $0x1  }
0x10b: {  	v18 =	vmul.f32 v18, v16;
	v19 =	vadd.f32 $1.991821230e-01, v19;
	_ =	sdelay $0x1  }
0x10c: {  	v18 =	vadd.f32 $-2.498344780e-01, v18;
	v19 =	vmul.f32 v19, v17;
	_ =	sdelay $0x1  }
0x10d: {  	v18 =	vmul.f32 v18, v16;
	v19 =	vadd.f32 $-2.498344780e-01, v19;
	_ =	sdelay $0x1  }
0x10e: {  	v18 =	vadd.f32 $3.333435360e-01, v18;
	v19 =	vmul.f32 v19, v17  }
0x10f: {  	v14 =	vshrl.u32 v14, $0x17  }
0x110: {  	v35 =	vsel vm2, $0xFFFFFF82, v5;
	v18 =	vmul.f32 v18, v16;
	v19 =	vadd.f32 $3.333435360e-01, v19  }
0x111: {  	v14 =	vadd.s32 v14, v35  }
0x112: {  	v36 =	vmul.f32 v16, v16;
	v18 =	vadd.f32 $-5.000008340e-01, v18;
	v19 =	vmul.f32 v19, v17  }
0x113: {  	v14 =	vcvt.s32.f32 v14;
	v15 =	vshrl.u32 v15, $0x17;
	v37 =	vsel vm1, $0xFFFFFF82, v5  }
0x114: {  	v38 =	vmul.f32 v17, v17;
	v18 =	vmul.f32 v18, v36;
	v19 =	vadd.f32 $-5.000008340e-01, v19  }
0x115: {  	v14 =	vmul.f32 $6.931471820e-01, v14;
	v15 =	vadd.s32 v15, v37  }
0x116: {  	v15 =	vcvt.s32.f32 v15;
	v16 =	vadd.f32 v18, v16;
	v39 =	vmul.f32 v19, v38;
	_ =	sdelay $0x1  }
0x117: {  	v15 =	vmul.f32 $6.931471820e-01, v15;
	v14 =	vadd.f32 v16, v14;
	v40 =	vadd.f32 v39, v17;
	_ =	sdelay $0x1  }
0x118: {  	v14 =	vsub.f32 $0.0e+00, v14;
	v15 =	vadd.f32 v40, v15;
	_ =	sdelay $0x1  }
0x119: {  	v41 =	vand.u32 $0x7FFFFF, v14;
	v15 =	vsub.f32 $0.0e+00, v15  }
0x11a: {  	v16 =	vor.u32 $0x3F800000, v41  }
0x11b: {  	v42 =	vmul.f32 $5.000000000e-01, v16;
	v43 =	vand.u32 $0x7FFFFF, v15  }
0x11c: {  	vm11 =	vge.f32 v16, $1.414213540e+00;
	v44 =	vor.u32 $0x3F800000, v43  }
0x11d: {  	v13 =	vsub.f32 $1.608034970e-01, v13;
	v16 =	vsel vm11, v42, v16;
	v18 =	vmul.f32 $5.000000000e-01, v44  }
0x11e: {  	v16 =	vadd.f32 $-1.000000000e+00, v16;
	vm12 =	vge.f32 v44, $1.414213540e+00  }
0x11f: {  	v13 =	vmul.f32 v13, v12;
	v17 =	vsel vm12, v18, v44  }
0x120: {  	v45 =	vmul.f32 $1.043441970e-01, v16;
	v17 =	vadd.f32 $-1.000000000e+00, v17  }
0x121: {  	v13 =	vadd.f32 $-1.710210740e-01, v13  }
0x122: {  	v46 =	vsub.f32 $1.608034970e-01, v45;
	v47 =	vmul.f32 $1.043441970e-01, v17  }
0x123: {  	v13 =	vmul.f32 v13, v12  }
0x124: {  	v18 =	vmul.f32 v46, v16;
	v19 =	vsub.f32 $1.608034970e-01, v47  }
0x125: {  	v13 =	vadd.f32 $1.991821230e-01, v13  }
0x126: {  	v18 =	vadd.f32 $-1.710210740e-01, v18;
	v19 =	vmul.f32 v19, v17  }
0x127: {  	v13 =	vmul.f32 v13, v12  }
0x128: {  	v18 =	vmul.f32 v18, v16;
	v19 =	vadd.f32 $-1.710210740e-01, v19  }
0x129: {  	v13 =	vadd.f32 $-2.498344780e-01, v13  }
0x12a: {  	v18 =	vadd.f32 $1.991821230e-01, v18;
	v19 =	vmul.f32 v19, v17  }
0x12b: {  	v13 =	vmul.f32 v13, v12  }
0x12c: {  	v18 =	vmul.f32 v18, v16;
	v19 =	vadd.f32 $1.991821230e-01, v19  }
0x12d: {  	v13 =	vadd.f32 $3.333435360e-01, v13  }
0x12e: {  	v18 =	vadd.f32 $-2.498344780e-01, v18;
	v19 =	vmul.f32 v19, v17  }
0x12f: {  	v13 =	vmul.f32 v13, v12  }
0x130: {  	v11 =	vshrl.u32 v11, $0x17;
	v18 =	vmul.f32 v18, v16;
	v19 =	vadd.f32 $-2.498344780e-01, v19  }
0x131: {  	v13 =	vadd.f32 $-5.000008340e-01, v13;
	v48 =	vsel vm0, $0xFFFFFF82, v5;
	v49 =	vmul.f32 v12, v12  }
0x132: {  	v11 =	vadd.s32 v11, v48;
	v18 =	vadd.f32 $3.333435360e-01, v18;
	v19 =	vmul.f32 v19, v17  }
0x133: {  	v11 =	vcvt.s32.f32 v11;
	v13 =	vmul.f32 v13, v49;
	v14 =	vshrl.u32 v14, $0x17  }
0x134: {  	v50 =	vsel vm11, $0xFFFFFF82, v5;
	v18 =	vmul.f32 v18, v16;
	v19 =	vadd.f32 $3.333435360e-01, v19  }
0x135: {  	v11 =	vmul.f32 $6.931471820e-01, v11;
	v52 =	vadd.f32 v13, v12;
	v53 =	vadd.s32 v14, v50  }
0x136: {  	v51 =	vmul.f32 v16, v16;
	v18 =	vadd.f32 $-5.000008340e-01, v18;
	v54 =	vmul.f32 v19, v17  }
0x137: {  	s18 =	sshra.s32 s18, $0x2;
	v13 =	vcvt.s32.f32 v53;
	v15 =	vshrl.u32 v15, $0x17;
	v56 =	vsel vm12, $0xFFFFFF82, v5  }
0x138: {  	v55 =	vld [tilespmem:s18+$0x0];
	v57 =	vmul.f32 v17, v17;
	v18 =	vmul.f32 v18, v51;
	v14 =	vadd.f32 $-5.000008340e-01, v54  }
0x139: {  	v11 =	vadd.f32 v52, v11;
	v58 =	vmul.f32 $6.931471820e-01, v13;
	v59 =	vadd.s32 v15, v56  }
0x13a: {  	s30 =	sshra.s32 s20, $0x2;
	v13 =	vcvt.s32.f32 v59;
	v60 =	vadd.f32 v18, v16;
	v14 =	vmul.f32 v14, v57  }
0x13b: {  	v11 =	vsub.f32 $0.0e+00, v11;
	v61 =	vld [tilespmem:s30+$0x0]  }
0x13c: {  	s31 =	sshra.s32 s19, $0x2;
	v13 =	vmul.f32 $6.931471820e-01, v13;
	v12 =	vadd.f32 v60, v58;
	v14 =	vadd.f32 v14, v17  }
0x13d: {  	v11 =	vadd.f32 v55, v11;
	v62 =	vld [tilespmem:s31+$0x0]  }
0x13e: {  	v12 =	vsub.f32 $0.0e+00, v12;
	v13 =	vadd.f32 v14, v13  }
0x13f: {  	s17 =	sadd.s32 $0x1, s17  }
0x140: {  	p0 =	sne.s32 s17, $0x19;
	vm13 =	vgt.f32 v11, v7;
	v12 =	vadd.f32 v61, v12;
	v13 =	vsub.f32 $0.0e+00, v13  }
.Ltmp1:
0x141: {  	v7 =	vsel vm13, v11, v7;
	(pc) =	sbr.rel @p0 .LBB2_2-.Ltmp1, $4  }
0x142: {  	vm14 =	vgt.f32 v12, v7;
	v63 =	vadd.f32 v62, v13  }
0x143: {  	v6 =	vsel vm13, v8, v6;
	v7 =	vsel vm14, v12, v7  }
0x144: {  	v6 =	vsel vm14, v9, v6;
	vm15 =	vgt.f32 v63, v7  }
0x145: {  	s16 =	sadd.s32 $0x2000, s16;
	v7 =	vsel vm15, v63, v7;
	v6 =	vsel vm15, v10, v6  }
0x146: {  	[tilespmem:$0x2000] =	vst v7  }
0x147: {  	[tilespmem:$0x2080] =	vst v6;
	s16 =	simm.s32 $0x0  }
0x148: {  	[hbm4b:s3+s16] =	stream.linear.scatter [tilespmem:s13], [sflag:$0x1], $0x80, $0x38;
	[tilespmem:$0x2100] =	vst v63  }
0x149: {  	_ =	swait.ge [sflag:s12], $0x80  }
0x14a: {  	[sflag:s12] =	ssyncset.done $0x0  }
0x14b: {  	[sflag:s12] =	ssyncadd.s32 $0xFFFFFF80  }
0x14c: {  	[hbm4b:s4+s16] =	stream.linear.scatter [tilespmem:s14], [sflag:$0x1], $0x80, $0x38;
	[tilespmem:$0x2100] =	vst v63  }
0x14d: {  	_ =	swait.ge [sflag:s12], $0x80  }
0x14e: {  	[sflag:s12] =	ssyncset.done $0x0  }
0x14f: {  	v7 =	vimm.f32 $-Inf;
	v6 =	vimm.s32 $0x0;
	s17 =	simm.s32 $0xC2000;
	s18 =	simm.s32 $0x0;
	[sflag:s12] =	ssyncadd.s32 $0xFFFFFF80  }
.LBB2_6:
0x150: {  	v8 =	vor.u32 s17, v4  }
0x151: {  	v9 =	vadd.s32 v2, v8  }
0x152: {  	v10 =	vshrl.u32 v9, $0x13;
	v9 =	vshll.u32 v9, $0xD  }
0x153: {  	v11 =	vadd.s32 v3, v8;
	v9 =	vor.u32 v10, v9  }
0x154: {  	v9 =	vxor.u32 v11, v9  }
0x155: {  	v10 =	vshrl.u32 v9, $0x11;
	v12 =	vshll.u32 v9, $0xF  }
0x156: {  	v9 =	vadd.s32 v11, v9;
	v10 =	vor.u32 v10, v12  }
0x157: {  	v10 =	vxor.u32 v10, v9  }
0x158: {  	v11 =	vshrl.u32 v10, $0x6;
	v12 =	vshll.u32 v10, $0x1A  }
0x159: {  	v9 =	vadd.s32 v9, v10;
	v10 =	vor.u32 v11, v12  }
0x15a: {  	v10 =	vxor.u32 v10, v9  }
0x15b: {  	v11 =	vshrl.u32 v10, $0x1A;
	v12 =	vshll.u32 v10, $0x6  }
0x15c: {  	v9 =	vadd.s32 v9, v10;
	v10 =	vor.u32 v11, v12  }
0x15d: {  	v10 =	vxor.u32 v10, v9  }
0x15e: {  	v10 =	vadd.s32 $0xE1552D49, v10  }
0x15f: {  	v9 =	vadd.s32 v10, v9;
	v11 =	vshrl.u32 v10, $0xF;
	v10 =	vshll.u32 v10, $0x11  }
0x160: {  	v9 =	vadd.s32 $0xCDDB151D, v9;
	v10 =	vor.u32 v11, v10  }
0x161: {  	v10 =	vxor.u32 v10, v9  }
0x162: {  	v11 =	vshrl.u32 v10, $0x3;
	v12 =	vshll.u32 v10, $0x1D  }
0x163: {  	v9 =	vadd.s32 v9, v10;
	v10 =	vor.u32 v11, v12  }
0x164: {  	v10 =	vxor.u32 v10, v9  }
0x165: {  	v11 =	vshrl.u32 v10, $0x10;
	v12 =	vshll.u32 v10, $0x10  }
0x166: {  	v9 =	vadd.s32 v9, v10;
	v10 =	vor.u32 v11, v12  }
0x167: {  	v10 =	vxor.u32 v10, v9  }
0x168: {  	v11 =	vshrl.u32 v10, $0x8;
	v12 =	vshll.u32 v10, $0x18  }
0x169: {  	v9 =	vadd.s32 v9, v10;
	v10 =	vor.u32 v11, v12  }
0x16a: {  	v10 =	vxor.u32 v10, v9  }
0x16b: {  	v10 =	vadd.s32 $0x375F2391, v10  }
0x16c: {  	v9 =	vadd.s32 v10, v9;
	v11 =	vshrl.u32 v10, $0x13;
	v10 =	vshll.u32 v10, $0xD  }
0x16d: {  	v9 =	vadd.s32 $0xE1552D48, v9;
	v10 =	vor.u32 v11, v10  }
0x16e: {  	v10 =	vxor.u32 v10, v9  }
0x16f: {  	v11 =	vshrl.u32 v10, $0x11;
	v12 =	vshll.u32 v10, $0xF  }
0x170: {  	v9 =	vadd.s32 v9, v10;
	v10 =	vor.u32 v11, v12  }
0x171: {  	v10 =	vxor.u32 v10, v9  }
0x172: {  	v11 =	vshrl.u32 v10, $0x6;
	v12 =	vshll.u32 v10, $0x1A  }
0x173: {  	v9 =	vadd.s32 v9, v10;
	v10 =	vor.u32 v11, v12  }
0x174: {  	v10 =	vxor.u32 v10, v9  }
0x175: {  	v11 =	vshrl.u32 v10, $0x1A;
	v12 =	vshll.u32 v10, $0x6  }
0x176: {  	v9 =	vadd.s32 v9, v10;
	v10 =	vor.u32 v11, v12  }
0x177: {  	v10 =	vxor.u32 v10, v9  }
0x178: {  	v10 =	vadd.s32 $0xCDDB1520, v10  }
0x179: {  	v9 =	vadd.s32 v10, v9;
	v11 =	vshrl.u32 v10, $0xF;
	v10 =	vshll.u32 v10, $0x11  }
0x17a: {  	v9 =	vadd.s32 $0x375F238F, v9;
	v10 =	vor.u32 v11, v10  }
0x17b: {  	v10 =	vxor.u32 v10, v9  }
0x17c: {  	v11 =	vshrl.u32 v10, $0x3;
	v12 =	vshll.u32 v10, $0x1D  }
0x17d: {  	v10 =	vadd.s32 v9, v10;
	v9 =	vor.u32 v11, v12  }
0x17e: {  	v11 =	vxor.u32 v9, v10  }
0x17f: {  	s19 =	sadd.s32 $0x10, s17;
	v12 =	vshrl.u32 v11, $0x10;
	v13 =	vshll.u32 v11, $0x10  }
0x180: {  	v9 =	vor.u32 s19, v4;
	v10 =	vadd.s32 v10, v11;
	v11 =	vor.u32 v12, v13  }
0x181: {  	v12 =	vadd.s32 v2, v9;
	v11 =	vxor.u32 v11, v10  }
0x182: {  	v13 =	vshrl.u32 v12, $0x13;
	v14 =	vshrl.u32 v11, $0x8;
	v15 =	vshll.u32 v11, $0x18  }
0x183: {  	v12 =	vshll.u32 v12, $0xD;
	v10 =	vadd.s32 v10, v11;
	v11 =	vor.u32 v14, v15  }
0x184: {  	v12 =	vor.u32 v13, v12;
	v14 =	vadd.s32 v3, v9;
	v11 =	vxor.u32 v11, v10  }
0x185: {  	v12 =	vxor.u32 v14, v12;
	v11 =	vadd.s32 $0xE1552D4C, v11  }
0x186: {  	v14 =	vadd.s32 v14, v12;
	v10 =	vadd.s32 v11, v10  }
0x187: {  	v13 =	vshrl.u32 v11, $0x13;
	v11 =	vshll.u32 v11, $0xD;
	v10 =	vadd.s32 $0xCDDB151D, v10  }
0x188: {  	v11 =	vor.u32 v13, v11;
	v13 =	vshrl.u32 v12, $0x11;
	v12 =	vshll.u32 v12, $0xF  }
0x189: {  	v11 =	vxor.u32 v11, v10;
	v12 =	vor.u32 v13, v12  }
0x18a: {  	v13 =	vshrl.u32 v11, $0x11;
	v15 =	vshll.u32 v11, $0xF;
	v12 =	vxor.u32 v12, v14  }
0x18b: {  	v10 =	vadd.s32 v10, v11;
	v11 =	vor.u32 v13, v15;
	v13 =	vadd.s32 v14, v12  }
0x18c: {  	v14 =	vshrl.u32 v12, $0x6;
	v12 =	vshll.u32 v12, $0x1A;
	v11 =	vxor.u32 v11, v10  }
0x18d: {  	v12 =	vor.u32 v14, v12;
	v15 =	vshrl.u32 v11, $0x6;
	v16 =	vshll.u32 v11, $0x1A  }
0x18e: {  	v10 =	vadd.s32 v10, v11;
	v12 =	vxor.u32 v12, v13;
	v11 =	vor.u32 v15, v16  }
0x18f: {  	v14 =	vshrl.u32 v12, $0x1A;
	v17 =	vshll.u32 v12, $0x6;
	v11 =	vxor.u32 v11, v10  }
0x190: {  	v12 =	vadd.s32 v13, v12;
	v15 =	vshrl.u32 v11, $0x1A;
	v16 =	vshll.u32 v11, $0x6  }
0x191: {  	v13 =	vor.u32 v14, v17;
	v10 =	vadd.s32 v10, v11;
	v11 =	vor.u32 v15, v16  }
0x192: {  	v13 =	vxor.u32 v13, v12;
	v11 =	vxor.u32 v11, v10  }
0x193: {  	v13 =	vadd.s32 $0xE1552D49, v13;
	v10 =	vadd.s32 $0xE1552D48, v10;
	v11 =	vadd.s32 $0x375F2394, v11  }
0x194: {  	v10 =	vxor.u32 v10, v11;
	v11 =	vadd.s32 v13, v12  }
0x195: {  	v12 =	vshrl.u32 v13, $0xF;
	v13 =	vshll.u32 v13, $0x11;
	v10 =	vshrl.u32 v10, $0x9  }
0x196: {  	v11 =	vadd.s32 $0xCDDB151D, v11;
	v12 =	vor.u32 v12, v13;
	v10 =	vor.u32 $0x3F800000, v10  }
0x197: {  	v13 =	vadd.f32 $-1.000000000e+00, v10;
	v10 =	vxor.u32 v12, v11  }
0x198: {  	v12 =	vshrl.u32 v10, $0x3;
	v14 =	vshll.u32 v10, $0x1D  }
0x199: {  	v10 =	vadd.s32 v11, v10;
	v15 =	vand.u32 $0x7FFFFF, v13;
	v11 =	vor.u32 v12, v14  }
0x19a: {  	v12 =	vor.u32 $0x3F800000, v15;
	v11 =	vxor.u32 v11, v10  }
0x19b: {  	v14 =	vmul.f32 $5.000000000e-01, v12;
	v15 =	vshrl.u32 v11, $0x10;
	v16 =	vshll.u32 v11, $0x10  }
0x19c: {  	vm0 =	vge.f32 v12, $1.414213540e+00;
	v10 =	vadd.s32 v10, v11;
	v11 =	vor.u32 v15, v16  }
0x19d: {  	v12 =	vsel vm0, v14, v12;
	v11 =	vxor.u32 v11, v10  }
0x19e: {  	v12 =	vadd.f32 $-1.000000000e+00, v12;
	v14 =	vshrl.u32 v11, $0x8;
	v15 =	vshll.u32 v11, $0x18  }
0x19f: {  	v11 =	vadd.s32 v10, v11;
	v10 =	vor.u32 v14, v15  }
0x1a0: {  	v14 =	vmul.f32 $1.043441970e-01, v12;
	v10 =	vxor.u32 v10, v11  }
0x1a1: {  	s22 =	sadd.s32 $0x10, s19;
	v13 =	vshrl.u32 v13, $0x17;
	v15 =	vadd.s32 $0x375F2391, v10  }
0x1a2: {  	v10 =	vor.u32 s22, v4;
	v14 =	vsub.f32 $1.608034970e-01, v14;
	v11 =	vadd.s32 v15, v11  }
0x1a3: {  	v16 =	vshrl.u32 v15, $0x13;
	v15 =	vshll.u32 v15, $0xD;
	v17 =	vadd.s32 v2, v10  }
0x1a4: {  	v11 =	vadd.s32 $0xE1552D48, v11;
	v15 =	vor.u32 v16, v15;
	v14 =	vmul.f32 v14, v12  }
0x1a5: {  	v16 =	vshrl.u32 v17, $0x13;
	v17 =	vshll.u32 v17, $0xD;
	v15 =	vxor.u32 v15, v11  }
0x1a6: {  	v18 =	vshrl.u32 v15, $0x11;
	v19 =	vshll.u32 v15, $0xF;
	v14 =	vadd.f32 $-1.710210740e-01, v14  }
0x1a7: {  	v16 =	vor.u32 v16, v17;
	v11 =	vadd.s32 v11, v15;
	v15 =	vor.u32 v18, v19  }
0x1a8: {  	v18 =	vadd.s32 v3, v10;
	v15 =	vxor.u32 v15, v11;
	v14 =	vmul.f32 v14, v12  }
0x1a9: {  	v16 =	vxor.u32 v18, v16;
	v17 =	vshrl.u32 v15, $0x6;
	v19 =	vshll.u32 v15, $0x1A  }
0x1aa: {  	v11 =	vadd.s32 v11, v15;
	v20 =	vshll.u32 v16, $0xF;
	v14 =	vadd.f32 $1.991821230e-01, v14  }
0x1ab: {  	v15 =	vor.u32 v17, v19;
	v17 =	vshrl.u32 v16, $0x11;
	v16 =	vadd.s32 v18, v16  }
0x1ac: {  	v15 =	vxor.u32 v15, v11;
	v17 =	vor.u32 v17, v20;
	v14 =	vmul.f32 v14, v12  }
0x1ad: {  	v11 =	vadd.s32 v11, v15;
	v19 =	vshrl.u32 v15, $0x1A;
	v15 =	vshll.u32 v15, $0x6  }
0x1ae: {  	v17 =	vxor.u32 v17, v16;
	v15 =	vor.u32 v19, v15;
	v14 =	vadd.f32 $-2.498344780e-01, v14  }
0x1af: {  	v16 =	vadd.s32 v16, v17;
	v18 =	vshrl.u32 v17, $0x6;
	v15 =	vxor.u32 v15, v11  }
0x1b0: {  	v17 =	vshll.u32 v17, $0x1A;
	v15 =	vadd.s32 $0xCDDB1520, v15;
	v14 =	vmul.f32 v14, v12  }
0x1b1: {  	v11 =	vadd.s32 v15, v11;
	v19 =	vshrl.u32 v15, $0xF;
	v15 =	vshll.u32 v15, $0x11  }
0x1b2: {  	v11 =	vadd.s32 $0x375F238F, v11;
	v15 =	vor.u32 v19, v15;
	v14 =	vadd.f32 $3.333435360e-01, v14  }
0x1b3: {  	v21 =	vmul.f32 v12, v12;
	v17 =	vor.u32 v18, v17;
	v15 =	vxor.u32 v15, v11  }
0x1b4: {  	v18 =	vshrl.u32 v15, $0x3;
	v19 =	vshll.u32 v15, $0x1D;
	v14 =	vmul.f32 v14, v12  }
0x1b5: {  	v20 =	vsel vm0, $0xFFFFFF82, v5;
	v11 =	vadd.s32 v11, v15;
	v15 =	vor.u32 v18, v19  }
0x1b6: {  	v13 =	vadd.s32 v13, v20;
	v15 =	vxor.u32 v15, v11;
	v14 =	vadd.f32 $-5.000008340e-01, v14  }
0x1b7: {  	v13 =	vcvt.s32.f32 v13;
	v11 =	vadd.s32 v11, v15  }
0x1b8: {  	v18 =	vshrl.u32 v15, $0x10;
	v15 =	vshll.u32 v15, $0x10;
	v14 =	vmul.f32 v14, v21  }
0x1b9: {  	v15 =	vor.u32 v18, v15  }
0x1ba: {  	v13 =	vmul.f32 $6.931471820e-01, v13;
	v15 =	vxor.u32 v15, v11;
	v12 =	vadd.f32 v14, v12  }
0x1bb: {  	v18 =	vshll.u32 v15, $0x18  }
0x1bc: {  	v14 =	vxor.u32 v17, v16;
	v17 =	vshrl.u32 v15, $0x8;
	v12 =	vadd.f32 v12, v13  }
0x1bd: {  	v15 =	vadd.s32 v11, v15;
	v11 =	vor.u32 v17, v18;
	v17 =	vshll.u32 v14, $0x6  }
0x1be: {  	v13 =	vshrl.u32 v14, $0x1A;
	v18 =	vxor.u32 v11, v15;
	v11 =	vsub.f32 $0.0e+00, v12  }
0x1bf: {  	v16 =	vadd.s32 v16, v14;
	v12 =	vor.u32 v13, v17;
	v13 =	vadd.s32 $0xE1552D4C, v18  }
0x1c0: {  	v12 =	vxor.u32 v12, v16;
	v14 =	vadd.s32 v13, v15;
	v15 =	vand.u32 $0x7FFFFF, v11  }
0x1c1: {  	s31 =	sshll.u32 s18, $0xD;
	v17 =	vshrl.u32 v13, $0x13;
	v13 =	vshll.u32 v13, $0xD;
	v15 =	vor.u32 $0x3F800000, v15  }
0x1c2: {  	s19 =	sadd.s32 s9, s31;
	v14 =	vadd.s32 $0xCDDB151D, v14;
	v13 =	vor.u32 v17, v13;
	v17 =	vmul.f32 $5.000000000e-01, v15  }
0x1c3: {  	s19 =	sadd.s32 $0xC2000, s19;
	v18 =	vadd.s32 $0xE1552D49, v12;
	v12 =	vxor.u32 v13, v14;
	vm0 =	vge.f32 v15, $1.414213540e+00  }
0x1c4: {  	[tilespmem:s16], [sflag:$0x1] =	stream.strided.gather [hbm4b:s19+s10], $0x2000, s11, s10, $0x38;
	v13 =	vshrl.u32 v12, $0x11;
	v19 =	vshll.u32 v12, $0xF;
	v15 =	vsel vm0, v17, v15;
	[tilespmem:$0x2100] =	vst v63  }
0x1c5: {  	_ =	swait.ge [sflag:s12], $0x2000;
	v14 =	vadd.s32 v14, v12;
	v13 =	vor.u32 v13, v19;
	v12 =	vadd.f32 $-1.000000000e+00, v15  }
0x1c6: {  	s20 =	simm.s32 $0x80;
	s23 =	simm.s32 $0xC0;
	[sflag:s12] =	ssyncset.done $0x0;
	v20 =	vadd.s32 v18, v16;
	v19 =	vshrl.u32 v18, $0xF;
	v15 =	vxor.u32 v13, v14  }
0x1c7: {  	s21 =	simm.s32 $0x0;
	s19 =	simm.s32 $0x40;
	[sflag:s12] =	ssyncadd.s32 $0xFFFFE000;
	v16 =	vshrl.u32 v15, $0x6;
	v17 =	vshll.u32 v15, $0x1A;
	v13 =	vmul.f32 $1.043441970e-01, v12  }
.LBB2_7:
0x1c8: {  	p0 =	sne.s32 s23, $0x7FC0;
	v18 =	vshll.u32 v18, $0x11;
	v14 =	vadd.s32 v14, v15;
	v15 =	vor.u32 v16, v17  }
0x1c9: {  	v16 =	vadd.s32 $0xCDDB151D, v20;
	v15 =	vxor.u32 v15, v14;
	v13 =	vsub.f32 $1.608034970e-01, v13  }
0x1ca: {  	v17 =	vor.u32 v19, v18;
	v18 =	vshrl.u32 v15, $0x1A;
	v19 =	vshll.u32 v15, $0x6  }
0x1cb: {  	v14 =	vadd.s32 v14, v15;
	v15 =	vor.u32 v18, v19;
	v13 =	vmul.f32 v13, v12  }
0x1cc: {  	v17 =	vxor.u32 v17, v16;
	v15 =	vxor.u32 v15, v14  }
0x1cd: {  	s22 =	sadd.s32 $0x10, s22;
	v14 =	vadd.s32 $0xE1552D48, v14;
	v15 =	vadd.s32 $0x375F2394, v15;
	v18 =	vadd.f32 $-1.710210740e-01, v13  }
0x1ce: {  	v19 =	vshrl.u32 v17, $0x3;
	v13 =	vor.u32 s22, v4;
	v14 =	vxor.u32 v14, v15  }
0x1cf: {  	v15 =	vshll.u32 v17, $0x1D;
	v14 =	vshrl.u32 v14, $0x9;
	v18 =	vmul.f32 v18, v12  }
0x1d0: {  	v16 =	vadd.s32 v16, v17;
	v15 =	vor.u32 v19, v15;
	v14 =	vor.u32 $0x3F800000, v14  }
0x1d1: {  	v15 =	vxor.u32 v15, v16;
	v14 =	vadd.f32 $-1.000000000e+00, v14;
	v17 =	vadd.f32 $1.991821230e-01, v18  }
0x1d2: {  	v16 =	vadd.s32 v16, v15;
	v18 =	vshrl.u32 v15, $0x10;
	v15 =	vshll.u32 v15, $0x10  }
0x1d3: {  	v15 =	vor.u32 v18, v15;
	v18 =	vand.u32 $0x7FFFFF, v14;
	v17 =	vmul.f32 v17, v12  }
0x1d4: {  	v19 =	vadd.s32 v3, v13;
	v15 =	vxor.u32 v15, v16;
	v18 =	vor.u32 $0x3F800000, v18  }
0x1d5: {  	v16 =	vadd.s32 v16, v15;
	v20 =	vmul.f32 $5.000000000e-01, v18;
	v17 =	vadd.f32 $-2.498344780e-01, v17  }
0x1d6: {  	v21 =	vshrl.u32 v15, $0x8;
	v15 =	vshll.u32 v15, $0x18;
	vm1 =	vge.f32 v18, $1.414213540e+00  }
0x1d7: {  	v15 =	vor.u32 v21, v15;
	v18 =	vsel vm1, v20, v18;
	v17 =	vmul.f32 v17, v12  }
0x1d8: {  	v15 =	vxor.u32 v15, v16;
	v20 =	vadd.s32 v2, v13;
	v18 =	vadd.f32 $-1.000000000e+00, v18  }
0x1d9: {  	v15 =	vadd.s32 $0x375F2391, v15;
	v21 =	vshrl.u32 v20, $0x13;
	v17 =	vadd.f32 $3.333435360e-01, v17  }
0x1da: {  	v20 =	vshll.u32 v20, $0xD;
	v16 =	vadd.s32 v15, v16;
	v22 =	vmul.f32 $1.043441970e-01, v18  }
0x1db: {  	v23 =	vshrl.u32 v15, $0x13;
	v15 =	vshll.u32 v15, $0xD;
	v17 =	vmul.f32 v17, v12  }
0x1dc: {  	v11 =	vshrl.u32 v11, $0x17;
	v16 =	vadd.s32 $0xE1552D48, v16;
	v22 =	vsub.f32 $1.608034970e-01, v22  }
0x1dd: {  	v24 =	vsel vm0, $0xFFFFFF82, v5;
	v25 =	vmul.f32 v12, v12;
	v17 =	vadd.f32 $-5.000008340e-01, v17  }
0x1de: {  	v11 =	vadd.s32 v11, v24;
	v15 =	vor.u32 v23, v15;
	v22 =	vmul.f32 v22, v18  }
0x1df: {  	v11 =	vcvt.s32.f32 v11;
	v15 =	vxor.u32 v15, v16;
	v17 =	vmul.f32 v17, v25  }
0x1e0: {  	v20 =	vor.u32 v21, v20;
	v21 =	vshrl.u32 v15, $0x11;
	v23 =	vshll.u32 v15, $0xF  }
0x1e1: {  	s24 =	sshra.s32 s21, $0x2;
	s21 =	smov.u32 s19;
	s19 =	smov.u32 s20;
	v11 =	vmul.f32 $6.931471820e-01, v11;
	v22 =	vadd.f32 $-1.710210740e-01, v22;
	v12 =	vadd.f32 v17, v12  }
0x1e2: {  	s20 =	smov.u32 s23;
	v15 =	vadd.s32 v16, v15;
	v16 =	vor.u32 v21, v23;
	v17 =	vxor.u32 v19, v20;
	v20 =	vld [tilespmem:s24+$0x0]  }
0x1e3: {  	v16 =	vxor.u32 v16, v15;
	v21 =	vmul.f32 v22, v18;
	v11 =	vadd.f32 v12, v11  }
0x1e4: {  	v22 =	vshrl.u32 v16, $0x6;
	v12 =	vadd.s32 v19, v17;
	v19 =	vshrl.u32 v17, $0x11  }
0x1e5: {  	v23 =	vshll.u32 v16, $0x1A;
	v21 =	vadd.f32 $1.991821230e-01, v21;
	v11 =	vsub.f32 $0.0e+00, v11  }
0x1e6: {  	v15 =	vadd.s32 v15, v16;
	v17 =	vshll.u32 v17, $0xF;
	v16 =	vor.u32 v22, v23  }
0x1e7: {  	v16 =	vxor.u32 v16, v15;
	v21 =	vmul.f32 v21, v18;
	v11 =	vadd.f32 v20, v11  }
0x1e8: {  	v15 =	vadd.s32 v15, v16;
	v20 =	vshrl.u32 v16, $0x1A;
	v16 =	vshll.u32 v16, $0x6  }
0x1e9: {  	v16 =	vor.u32 v20, v16;
	v20 =	vadd.f32 $-2.498344780e-01, v21;
	vm0 =	vgt.f32 v11, v7  }
0x1ea: {  	v17 =	vor.u32 v19, v17;
	v16 =	vxor.u32 v16, v15;
	v7 =	vsel vm0, v11, v7  }
0x1eb: {  	v11 =	vxor.u32 v17, v12;
	v16 =	vadd.s32 $0xCDDB1520, v16;
	v17 =	vmul.f32 v20, v18  }
0x1ec: {  	v12 =	vadd.s32 v12, v11;
	v19 =	vshrl.u32 v11, $0x6;
	v15 =	vadd.s32 v16, v15  }
0x1ed: {  	v20 =	vshrl.u32 v16, $0xF;
	v16 =	vshll.u32 v16, $0x11;
	v17 =	vadd.f32 $3.333435360e-01, v17  }
0x1ee: {  	v11 =	vshll.u32 v11, $0x1A;
	v15 =	vadd.s32 $0x375F238F, v15;
	v16 =	vor.u32 v20, v16  }
0x1ef: {  	v11 =	vor.u32 v19, v11;
	v16 =	vxor.u32 v16, v15;
	v17 =	vmul.f32 v17, v18  }
0x1f0: {  	v14 =	vshrl.u32 v14, $0x17;
	v19 =	vshrl.u32 v16, $0x3;
	v20 =	vshll.u32 v16, $0x1D  }
0x1f1: {  	v22 =	vmul.f32 v18, v18;
	v21 =	vsel vm1, $0xFFFFFF82, v5;
	v17 =	vadd.f32 $-5.000008340e-01, v17  }
0x1f2: {  	v14 =	vadd.s32 v14, v21;
	v15 =	vadd.s32 v15, v16;
	v16 =	vor.u32 v19, v20  }
0x1f3: {  	v14 =	vcvt.s32.f32 v14;
	v16 =	vxor.u32 v16, v15;
	v17 =	vmul.f32 v17, v22  }
0x1f4: {  	v15 =	vadd.s32 v15, v16;
	v19 =	vshrl.u32 v16, $0x10;
	v16 =	vshll.u32 v16, $0x10  }
0x1f5: {  	v14 =	vmul.f32 $6.931471820e-01, v14;
	v16 =	vor.u32 v19, v16;
	v17 =	vadd.f32 v17, v18  }
0x1f6: {  	v6 =	vsel vm0, v8, v6;
	v8 =	vmovc v9;
	v18 =	vxor.u32 v11, v12;
	v11 =	vxor.u32 v16, v15  }
0x1f7: {  	v9 =	vmovc v10;
	v10 =	vmovc v13;
	v16 =	vshrl.u32 v11, $0x8;
	v19 =	vshll.u32 v11, $0x18;
	v14 =	vadd.f32 v17, v14  }
0x1f8: {  	v13 =	vshrl.u32 v18, $0x1A;
	v15 =	vadd.s32 v15, v11;
	v11 =	vor.u32 v16, v19  }
0x1f9: {  	v16 =	vshll.u32 v18, $0x6;
	v17 =	vxor.u32 v11, v15;
	v11 =	vsub.f32 $0.0e+00, v14  }
0x1fa: {  	v19 =	vadd.s32 v12, v18;
	v12 =	vor.u32 v13, v16;
	v13 =	vadd.s32 $0xE1552D4C, v17  }
0x1fb: {  	v12 =	vxor.u32 v12, v19;
	v14 =	vadd.s32 v13, v15;
	v15 =	vand.u32 $0x7FFFFF, v11  }
0x1fc: {  	v16 =	vshrl.u32 v13, $0x13;
	v13 =	vshll.u32 v13, $0xD;
	v15 =	vor.u32 $0x3F800000, v15  }
0x1fd: {  	v14 =	vadd.s32 $0xCDDB151D, v14;
	v13 =	vor.u32 v16, v13;
	v16 =	vmul.f32 $5.000000000e-01, v15  }
.Ltmp2:
0x1fe: {  	v18 =	vadd.s32 $0xE1552D49, v12;
	v12 =	vxor.u32 v13, v14;
	vm0 =	vge.f32 v15, $1.414213540e+00;
	(pc) =	sbr.rel @p0 .LBB2_7-.Ltmp2, $4  }
0x1ff: {  	v13 =	vshrl.u32 v12, $0x11;
	v17 =	vshll.u32 v12, $0xF;
	v15 =	vsel vm0, v16, v15  }
0x200: {  	v14 =	vadd.s32 v14, v12;
	v13 =	vor.u32 v13, v17;
	v12 =	vadd.f32 $-1.000000000e+00, v15  }
0x201: {  	v20 =	vadd.s32 v18, v19;
	v19 =	vshrl.u32 v18, $0xF;
	v15 =	vxor.u32 v13, v14  }
0x202: {  	s23 =	sadd.s32 $0x40, s23;
	v16 =	vshrl.u32 v15, $0x6;
	v17 =	vshll.u32 v15, $0x1A;
	v13 =	vmul.f32 $1.043441970e-01, v12  }
0x203: {  	v18 =	vshll.u32 v18, $0x11  }
0x204: {  	v20 =	vadd.s32 $0xCDDB151D, v20;
	v18 =	vor.u32 v19, v18  }
0x205: {  	v18 =	vxor.u32 v18, v20  }
0x206: {  	v30 =	vshrl.u32 v18, $0x3;
	v21 =	vshll.u32 v18, $0x1D  }
0x207: {  	v18 =	vadd.s32 v20, v18;
	v19 =	vor.u32 v30, v21  }
0x208: {  	v19 =	vxor.u32 v19, v18  }
0x209: {  	v31 =	vshrl.u32 v19, $0x10;
	v32 =	vshll.u32 v19, $0x10  }
0x20a: {  	v18 =	vadd.s32 v18, v19;
	v33 =	vor.u32 v31, v32  }
0x20b: {  	v19 =	vxor.u32 v33, v18  }
0x20c: {  	v34 =	vshrl.u32 v19, $0x8;
	v35 =	vshll.u32 v19, $0x18  }
0x20d: {  	v18 =	vadd.s32 v18, v19;
	v36 =	vor.u32 v34, v35  }
0x20e: {  	v19 =	vxor.u32 v36, v18  }
0x20f: {  	v19 =	vadd.s32 $0x375F2391, v19  }
0x210: {  	v18 =	vadd.s32 v19, v18;
	v37 =	vshrl.u32 v19, $0x13;
	v19 =	vshll.u32 v19, $0xD  }
0x211: {  	v18 =	vadd.s32 $0xE1552D48, v18;
	v19 =	vor.u32 v37, v19  }
0x212: {  	v19 =	vxor.u32 v19, v18  }
0x213: {  	v38 =	vshrl.u32 v19, $0x11;
	v39 =	vshll.u32 v19, $0xF  }
0x214: {  	v18 =	vadd.s32 v18, v19;
	v40 =	vor.u32 v38, v39  }
0x215: {  	v19 =	vxor.u32 v40, v18  }
0x216: {  	v41 =	vshrl.u32 v19, $0x6;
	v42 =	vshll.u32 v19, $0x1A  }
0x217: {  	v18 =	vadd.s32 v18, v19;
	v43 =	vor.u32 v41, v42  }
0x218: {  	v19 =	vxor.u32 v43, v18  }
0x219: {  	v44 =	vshrl.u32 v19, $0x1A;
	v45 =	vshll.u32 v19, $0x6  }
0x21a: {  	v18 =	vadd.s32 v18, v19;
	v46 =	vor.u32 v44, v45  }
0x21b: {  	v19 =	vxor.u32 v46, v18  }
0x21c: {  	v19 =	vadd.s32 $0xCDDB1520, v19  }
0x21d: {  	v18 =	vadd.s32 v19, v18;
	v47 =	vshrl.u32 v19, $0xF;
	v19 =	vshll.u32 v19, $0x11  }
0x21e: {  	v18 =	vadd.s32 $0x375F238F, v18;
	v19 =	vor.u32 v47, v19  }
0x21f: {  	v19 =	vxor.u32 v19, v18  }
0x220: {  	v48 =	vshrl.u32 v19, $0x3;
	v49 =	vshll.u32 v19, $0x1D  }
0x221: {  	v18 =	vadd.s32 v18, v19;
	v50 =	vor.u32 v48, v49  }
0x222: {  	v19 =	vxor.u32 v50, v18  }
0x223: {  	v51 =	vshrl.u32 v19, $0x10;
	v52 =	vshll.u32 v19, $0x10  }
0x224: {  	v18 =	vadd.s32 v18, v19;
	v53 =	vor.u32 v51, v52  }
0x225: {  	v19 =	vxor.u32 v53, v18  }
0x226: {  	v54 =	vshrl.u32 v19, $0x8;
	v55 =	vshll.u32 v19, $0x18  }
0x227: {  	v18 =	vadd.s32 v18, v19;
	v56 =	vor.u32 v54, v55  }
0x228: {  	v19 =	vxor.u32 v56, v18  }
0x229: {  	v19 =	vadd.s32 $0xE1552D4C, v19  }
0x22a: {  	v18 =	vadd.s32 v19, v18;
	v57 =	vshrl.u32 v19, $0x13;
	v19 =	vshll.u32 v19, $0xD  }
0x22b: {  	v18 =	vadd.s32 $0xCDDB151D, v18;
	v19 =	vor.u32 v57, v19  }
0x22c: {  	v14 =	vadd.s32 v14, v15;
	v58 =	vxor.u32 v19, v18  }
0x22d: {  	v16 =	vor.u32 v16, v17;
	v59 =	vshrl.u32 v58, $0x11;
	v19 =	vshll.u32 v58, $0xF  }
0x22e: {  	v16 =	vxor.u32 v16, v14;
	v15 =	vadd.s32 v18, v58;
	v17 =	vor.u32 v59, v19  }
0x22f: {  	v60 =	vshrl.u32 v16, $0x1A;
	v61 =	vshll.u32 v16, $0x6;
	v17 =	vxor.u32 v17, v15  }
0x230: {  	v14 =	vadd.s32 v14, v16;
	v62 =	vshrl.u32 v17, $0x6;
	v63 =	vshll.u32 v17, $0x1A  }
0x231: {  	v18 =	vor.u32 v60, v61;
	v15 =	vadd.s32 v15, v17;
	v16 =	vor.u32 v62, v63  }
0x232: {  	v24 =	vxor.u32 v18, v14;
	v16 =	vxor.u32 v16, v15  }
0x233: {  	v14 =	vadd.s32 $0xE1552D48, v14;
	v25 =	vshrl.u32 v16, $0x1A;
	v26 =	vshll.u32 v16, $0x6  }
0x234: {  	v17 =	vadd.s32 $0x375F2394, v24;
	v15 =	vadd.s32 v15, v16;
	v27 =	vor.u32 v25, v26  }
0x235: {  	v14 =	vxor.u32 v14, v17;
	v16 =	vxor.u32 v27, v15  }
0x236: {  	v14 =	vshrl.u32 v14, $0x9;
	v15 =	vadd.s32 $0xE1552D48, v15;
	v16 =	vadd.s32 $0x375F2394, v16  }
0x237: {  	v14 =	vor.u32 $0x3F800000, v14;
	v15 =	vxor.u32 v15, v16  }
0x238: {  	v14 =	vadd.f32 $-1.000000000e+00, v14;
	v15 =	vshrl.u32 v15, $0x9  }
0x239: {  	v15 =	vor.u32 $0x3F800000, v15  }
0x23a: {  	v28 =	vand.u32 $0x7FFFFF, v14;
	v15 =	vadd.f32 $-1.000000000e+00, v15  }
0x23b: {  	v16 =	vor.u32 $0x3F800000, v28  }
0x23c: {  	v29 =	vmul.f32 $5.000000000e-01, v16;
	v30 =	vand.u32 $0x7FFFFF, v15  }
0x23d: {  	vm2 =	vge.f32 v16, $1.414213540e+00;
	v31 =	vor.u32 $0x3F800000, v30  }
0x23e: {  	v16 =	vsel vm2, v29, v16;
	v18 =	vmul.f32 $5.000000000e-01, v31  }
0x23f: {  	v16 =	vadd.f32 $-1.000000000e+00, v16;
	vm1 =	vge.f32 v31, $1.414213540e+00  }
0x240: {  	v17 =	vsel vm1, v18, v31  }
0x241: {  	v32 =	vmul.f32 $1.043441970e-01, v16;
	v17 =	vadd.f32 $-1.000000000e+00, v17;
	_ =	sdelay $0x1  }
0x242: {  	v33 =	vsub.f32 $1.608034970e-01, v32;
	v34 =	vmul.f32 $1.043441970e-01, v17;
	_ =	sdelay $0x1  }
0x243: {  	v18 =	vmul.f32 v33, v16;
	v19 =	vsub.f32 $1.608034970e-01, v34;
	_ =	sdelay $0x1  }
0x244: {  	v18 =	vadd.f32 $-1.710210740e-01, v18;
	v19 =	vmul.f32 v19, v17;
	_ =	sdelay $0x1  }
0x245: {  	v18 =	vmul.f32 v18, v16;
	v19 =	vadd.f32 $-1.710210740e-01, v19;
	_ =	sdelay $0x1  }
0x246: {  	v18 =	vadd.f32 $1.991821230e-01, v18;
	v19 =	vmul.f32 v19, v17;
	_ =	sdelay $0x1  }
0x247: {  	v18 =	vmul.f32 v18, v16;
	v19 =	vadd.f32 $1.991821230e-01, v19;
	_ =	sdelay $0x1  }
0x248: {  	v18 =	vadd.f32 $-2.498344780e-01, v18;
	v19 =	vmul.f32 v19, v17;
	_ =	sdelay $0x1  }
0x249: {  	v18 =	vmul.f32 v18, v16;
	v19 =	vadd.f32 $-2.498344780e-01, v19;
	_ =	sdelay $0x1  }
0x24a: {  	v18 =	vadd.f32 $3.333435360e-01, v18;
	v19 =	vmul.f32 v19, v17  }
0x24b: {  	v14 =	vshrl.u32 v14, $0x17  }
0x24c: {  	v35 =	vsel vm2, $0xFFFFFF82, v5;
	v18 =	vmul.f32 v18, v16;
	v19 =	vadd.f32 $3.333435360e-01, v19  }
0x24d: {  	v14 =	vadd.s32 v14, v35  }
0x24e: {  	v36 =	vmul.f32 v16, v16;
	v18 =	vadd.f32 $-5.000008340e-01, v18;
	v19 =	vmul.f32 v19, v17  }
0x24f: {  	v14 =	vcvt.s32.f32 v14;
	v15 =	vshrl.u32 v15, $0x17;
	v37 =	vsel vm1, $0xFFFFFF82, v5  }
0x250: {  	v38 =	vmul.f32 v17, v17;
	v18 =	vmul.f32 v18, v36;
	v19 =	vadd.f32 $-5.000008340e-01, v19  }
0x251: {  	v14 =	vmul.f32 $6.931471820e-01, v14;
	v15 =	vadd.s32 v15, v37  }
0x252: {  	v15 =	vcvt.s32.f32 v15;
	v16 =	vadd.f32 v18, v16;
	v39 =	vmul.f32 v19, v38;
	_ =	sdelay $0x1  }
0x253: {  	v15 =	vmul.f32 $6.931471820e-01, v15;
	v14 =	vadd.f32 v16, v14;
	v40 =	vadd.f32 v39, v17;
	_ =	sdelay $0x1  }
0x254: {  	v14 =	vsub.f32 $0.0e+00, v14;
	v15 =	vadd.f32 v40, v15;
	_ =	sdelay $0x1  }
0x255: {  	v41 =	vand.u32 $0x7FFFFF, v14;
	v15 =	vsub.f32 $0.0e+00, v15  }
0x256: {  	v16 =	vor.u32 $0x3F800000, v41  }
0x257: {  	v42 =	vmul.f32 $5.000000000e-01, v16;
	v43 =	vand.u32 $0x7FFFFF, v15  }
0x258: {  	vm11 =	vge.f32 v16, $1.414213540e+00;
	v44 =	vor.u32 $0x3F800000, v43  }
0x259: {  	v13 =	vsub.f32 $1.608034970e-01, v13;
	v16 =	vsel vm11, v42, v16;
	v18 =	vmul.f32 $5.000000000e-01, v44  }
0x25a: {  	v16 =	vadd.f32 $-1.000000000e+00, v16;
	vm12 =	vge.f32 v44, $1.414213540e+00  }
0x25b: {  	v13 =	vmul.f32 v13, v12;
	v17 =	vsel vm12, v18, v44  }
0x25c: {  	v45 =	vmul.f32 $1.043441970e-01, v16;
	v17 =	vadd.f32 $-1.000000000e+00, v17  }
0x25d: {  	v13 =	vadd.f32 $-1.710210740e-01, v13  }
0x25e: {  	v46 =	vsub.f32 $1.608034970e-01, v45;
	v47 =	vmul.f32 $1.043441970e-01, v17  }
0x25f: {  	v13 =	vmul.f32 v13, v12  }
0x260: {  	v18 =	vmul.f32 v46, v16;
	v19 =	vsub.f32 $1.608034970e-01, v47  }
0x261: {  	v13 =	vadd.f32 $1.991821230e-01, v13  }
0x262: {  	v18 =	vadd.f32 $-1.710210740e-01, v18;
	v19 =	vmul.f32 v19, v17  }
0x263: {  	v13 =	vmul.f32 v13, v12  }
0x264: {  	v18 =	vmul.f32 v18, v16;
	v19 =	vadd.f32 $-1.710210740e-01, v19  }
0x265: {  	v13 =	vadd.f32 $-2.498344780e-01, v13  }
0x266: {  	v18 =	vadd.f32 $1.991821230e-01, v18;
	v19 =	vmul.f32 v19, v17  }
0x267: {  	v13 =	vmul.f32 v13, v12  }
0x268: {  	v18 =	vmul.f32 v18, v16;
	v19 =	vadd.f32 $1.991821230e-01, v19  }
0x269: {  	v13 =	vadd.f32 $3.333435360e-01, v13  }
0x26a: {  	v18 =	vadd.f32 $-2.498344780e-01, v18;
	v19 =	vmul.f32 v19, v17  }
0x26b: {  	v13 =	vmul.f32 v13, v12  }
0x26c: {  	v11 =	vshrl.u32 v11, $0x17;
	v18 =	vmul.f32 v18, v16;
	v19 =	vadd.f32 $-2.498344780e-01, v19  }
0x26d: {  	v13 =	vadd.f32 $-5.000008340e-01, v13;
	v48 =	vsel vm0, $0xFFFFFF82, v5;
	v49 =	vmul.f32 v12, v12  }
0x26e: {  	v11 =	vadd.s32 v11, v48;
	v18 =	vadd.f32 $3.333435360e-01, v18;
	v19 =	vmul.f32 v19, v17  }
0x26f: {  	v11 =	vcvt.s32.f32 v11;
	v13 =	vmul.f32 v13, v49;
	v14 =	vshrl.u32 v14, $0x17  }
0x270: {  	v50 =	vsel vm11, $0xFFFFFF82, v5;
	v18 =	vmul.f32 v18, v16;
	v19 =	vadd.f32 $3.333435360e-01, v19  }
0x271: {  	v11 =	vmul.f32 $6.931471820e-01, v11;
	v52 =	vadd.f32 v13, v12;
	v53 =	vadd.s32 v14, v50  }
0x272: {  	v51 =	vmul.f32 v16, v16;
	v18 =	vadd.f32 $-5.000008340e-01, v18;
	v54 =	vmul.f32 v19, v17  }
0x273: {  	s21 =	sshra.s32 s21, $0x2;
	v13 =	vcvt.s32.f32 v53;
	v15 =	vshrl.u32 v15, $0x17;
	v56 =	vsel vm12, $0xFFFFFF82, v5  }
0x274: {  	v55 =	vld [tilespmem:s21+$0x0];
	v57 =	vmul.f32 v17, v17;
	v18 =	vmul.f32 v18, v51;
	v14 =	vadd.f32 $-5.000008340e-01, v54  }
0x275: {  	v11 =	vadd.f32 v52, v11;
	v58 =	vmul.f32 $6.931471820e-01, v13;
	v59 =	vadd.s32 v15, v56  }
0x276: {  	s19 =	sshra.s32 s19, $0x2;
	v13 =	vcvt.s32.f32 v59;
	v60 =	vadd.f32 v18, v16;
	v14 =	vmul.f32 v14, v57  }
0x277: {  	v11 =	vsub.f32 $0.0e+00, v11;
	v61 =	vld [tilespmem:s19+$0x0]  }
0x278: {  	s31 =	sshra.s32 s20, $0x2;
	v13 =	vmul.f32 $6.931471820e-01, v13;
	v12 =	vadd.f32 v60, v58;
	v14 =	vadd.f32 v14, v17  }
0x279: {  	v11 =	vadd.f32 v55, v11;
	v62 =	vld [tilespmem:s31+$0x0]  }
0x27a: {  	v12 =	vsub.f32 $0.0e+00, v12;
	v13 =	vadd.f32 v14, v13  }
0x27b: {  	s18 =	sadd.s32 $0x1, s18  }
0x27c: {  	p0 =	sne.s32 s18, $0x19;
	vm13 =	vgt.f32 v11, v7;
	v12 =	vadd.f32 v61, v12;
	v13 =	vsub.f32 $0.0e+00, v13  }
.Ltmp3:
0x27d: {  	v7 =	vsel vm13, v11, v7;
	(pc) =	sbr.rel @p0 .LBB2_6-.Ltmp3, $4  }
0x27e: {  	vm14 =	vgt.f32 v12, v7;
	v63 =	vadd.f32 v62, v13  }
0x27f: {  	v6 =	vsel vm13, v8, v6;
	v7 =	vsel vm14, v12, v7  }
0x280: {  	v6 =	vsel vm14, v9, v6;
	vm15 =	vgt.f32 v63, v7  }
0x281: {  	s17 =	sadd.s32 $0x2000, s17;
	v7 =	vsel vm15, v63, v7;
	v6 =	vsel vm15, v10, v6  }
0x282: {  	[tilespmem:$0x2000] =	vst v7  }
0x283: {  	[tilespmem:$0x2080] =	vst v6  }
0x284: {  	[hbm4b:s5+s1] =	stream.linear.scatter [tilespmem:s13], [sflag:$0x1], $0x80, $0x38;
	[tilespmem:$0x2100] =	vst v63  }
0x285: {  	s15 =	sadd.s32 $0x1, s15;
	_ =	swait.ge [sflag:s12], $0x80  }
0x286: {  	p0 =	sne.s32 s15, s7;
	[sflag:s12] =	ssyncset.done $0x0  }
.Ltmp4:
0x287: {  	[sflag:s12] =	ssyncadd.s32 $0xFFFFFF80;
	(pc) =	sbr.rel @p0 .LBB2_1-.Ltmp4, $4  }
0x288: {  	[hbm4b:s6+s1] =	stream.linear.scatter [tilespmem:s14], [sflag:$0x1], $0x80, $0x38;
	[tilespmem:$0x2100] =	vst v63  }
0x289: {  	_ =	swait.ge [sflag:s12], $0x80  }
0x28a: {  	[sflag:s12] =	ssyncset.done $0x0  }
0x28b: {  	[sflag:s12] =	ssyncadd.s32 $0xFFFFFF80  }
0x28c: {  	_ =	sfence.sel $0x180000  }
0x28d: {  	[bflag:$0x0] =	sbarrier.arrive $0xFFFF  }
0x28e: {  	p0 =	sne.s32 s2, $0x0;
	_ =	strace $0x90000047  }
0x28f: {  	s0 =	sadd.s32 @!p0 $0x100000, s0;
	[bflag:$0x2] =	sbarrier.arrive $0xFFFF  }
0x290: {  	[sflag:s0] =	ssyncadd.tile.s32 @!p0 $0x1;
	_ =	shalt  }
.Lfunc_end2:
_tile_overlayer_lowered:
.L_overlay_start_2:
0x291: {  	(tag) =	ssettag $0x2  }
0x292: {  	s0 =	rddreg [dreg:$0x0];
	s2 =	stileid.u32  }
0x293: {  	s1 =	rddreg [dreg:$0x1];
	p0 =	sne.s32 s2, $0x0  }
0x294: {  	s3 =	rddreg [dreg:$0x2];
	[bflag:$0x3] =	sbarrier.arrive $0xFFFF;
	s2 =	simm.s32 @!p0 $0x1C01  }
0x295: {  	[timem:s3], [sflag:s2] =	dma.local @!p0 [hbm:s0], s1  }
0x296: {  	s0 =	simm.s32 @!p0 $0x1  }
0x297: {  	_ =	swait.ge @!p0 [sflag:s0], s1  }
0x298: {  	s1 =	ssub.s32 @!p0 $0x0, s1;
	[sflag:s0] =	ssyncset.done @!p0 $0x0  }
0x299: {  	[sflag:s0] =	ssyncadd.s32 @!p0 s1  }
0x29a: {  	[bflag:$0x3] =	sbarrier.arrive $0xFFFF  }
0x29b: {  	_ =	shalt  }

</sc_bundles>
